<compile_context>
chip_gen: v7x
topology: tpu7x:2x2x1
jax: 0.10.2.dev20260603
libtpu: 0.0.44.dev20260713+nightly
codegen_flags: <defaults>
</compile_context>

<pallas_src>
import functools

import jax
import jax.numpy as jnp
from jax import lax
from jax.experimental import pallas as pl
from jax.experimental.pallas import tpu as pltpu
from jax.experimental.pallas import tpu_sc as plsc

E = 320000
D = 128
N = 10000
NC = 2
NS = 16
EPT = E // (NC * NS)
CHUNK = 128
NBUF = 3
NFULL = EPT // CHUNK
TAIL = EPT - NFULL * CHUNK
ZROWS = 624
ZCHUNK = 104
ZTAIL = N - NS * ZROWS


def _sc_segment_sum(M, dest):
    mesh = plsc.VectorSubcoreMesh(core_axis_name="c", subcore_axis_name="s")

    @functools.partial(
        pl.kernel,
        out_type=jax.ShapeDtypeStruct((NC, N, D), jnp.float32),
        mesh=mesh,
        scratch_types=[
            pltpu.VMEM((CHUNK, D), jnp.float32),
            pltpu.VMEM((CHUNK, D), jnp.float32),
            pltpu.VMEM((CHUNK, D), jnp.float32),
            pltpu.VMEM((CHUNK,), jnp.int32),
            pltpu.VMEM((CHUNK,), jnp.int32),
            pltpu.VMEM((CHUNK,), jnp.int32),
            pltpu.VMEM((TAIL,), jnp.int32),
            pltpu.VMEM_SHARED((N, D), jnp.float32),
            pltpu.SemaphoreType.DMA,
            pltpu.SemaphoreType.DMA,
            pltpu.SemaphoreType.DMA,
            pltpu.SemaphoreType.DMA,
            pltpu.SemaphoreType.DMA,
            pltpu.SemaphoreType.DMA,
        ],
    )
    def k(m_hbm, d_hbm, out_hbm, mb0, mb1, mb2, ib0, ib1, ib2, itail,
          acc, ms0, ms1, ms2, is0, is1, is2):
        c = lax.axis_index("c")
        s = lax.axis_index("s")
        mbs = (mb0, mb1, mb2)
        ibs = (ib0, ib1, ib2)
        msems = (ms0, ms1, ms2)
        isems = (is0, is1, is2)

        ebase = c * (NS * EPT) + s * EPT

        def start_in(j, b):
            off = ebase + j * CHUNK
            pltpu.async_copy(d_hbm.at[pl.ds(off, CHUNK)], ibs[b], isems[b])
            pltpu.async_copy(m_hbm.at[pl.ds(off, CHUNK)], mbs[b], msems[b])

        def wait_in(b):
            pltpu.make_async_copy(
                d_hbm.at[pl.ds(0, CHUNK)], ibs[b], isems[b]).wait()
            pltpu.make_async_copy(
                m_hbm.at[pl.ds(0, CHUNK)], mbs[b], msems[b]).wait()

        start_in(0, 1)
        start_in(1, 2)

        zero = jnp.zeros((16,), jnp.float32)

        @pl.loop(0, ZCHUNK)
        def _(r):
            @pl.loop(0, D, step=16)
            def _(col):
                mb0[r, pl.ds(col, 16)] = zero

        @pl.loop(0, ZROWS // ZCHUNK)
        def _(j):
            pltpu.async_copy(
                mb0.at[pl.ds(0, ZCHUNK)],
                acc.at[pl.ds(s * ZROWS + j * ZCHUNK, ZCHUNK)],
                ms0,
            )

        @pl.when(s == NS - 1)
        def _():
            pltpu.async_copy(
                mb0.at[pl.ds(0, ZTAIL)],
                acc.at[pl.ds(NS * ZROWS, ZTAIL)],
                ms0,
            )

        @pl.loop(0, ZROWS // ZCHUNK)
        def _(j):
            pltpu.make_async_copy(
                mb0.at[pl.ds(0, ZCHUNK)],
                acc.at[pl.ds(0, ZCHUNK)],
                ms0,
            ).wait()

        @pl.when(s == NS - 1)
        def _():
            pltpu.make_async_copy(
                mb0.at[pl.ds(0, ZTAIL)],
                acc.at[pl.ds(0, ZTAIL)],
                ms0,
            ).wait()

        plsc.subcore_barrier()

        start_in(2, 0)

        RB = (1, 2, 0)

        @pl.loop(0, NFULL // NBUF)
        def _(it):
            j0 = it * NBUF
            hs = []
            for k in range(NBUF):
                b = RB[k]
                wait_in(b)
                hs.append(pltpu.async_copy(
                    mbs[b], acc.at[ibs[b]], msems[b], add=True))
            for k in range(NBUF):
                hs[k].wait()

                @pl.when(j0 + k + NBUF < NFULL)
                def _(k=k):
                    start_in(j0 + k + NBUF, RB[k])

        toff = ebase + NFULL * CHUNK
        pltpu.sync_copy(d_hbm.at[pl.ds(toff, TAIL)], itail)
        pltpu.sync_copy(m_hbm.at[pl.ds(toff, TAIL)], mb0.at[pl.ds(0, TAIL)])
        pltpu.sync_copy(mb0.at[pl.ds(0, TAIL)], acc.at[itail], add=True)

        plsc.subcore_barrier()

        @pl.loop(0, ZROWS // ZCHUNK)
        def _(j):
            row = s * ZROWS + j * ZCHUNK
            pltpu.async_copy(
                acc.at[pl.ds(row, ZCHUNK)],
                out_hbm.at[c].at[pl.ds(row, ZCHUNK)],
                ms0,
            )

        @pl.when(s == NS - 1)
        def _():
            pltpu.async_copy(
                acc.at[pl.ds(NS * ZROWS, ZTAIL)],
                out_hbm.at[c].at[pl.ds(NS * ZROWS, ZTAIL)],
                ms0,
            )

        @pl.loop(0, ZROWS // ZCHUNK)
        def _(j):
            pltpu.make_async_copy(
                acc.at[pl.ds(0, ZCHUNK)],
                out_hbm.at[c].at[pl.ds(0, ZCHUNK)],
                ms0,
            ).wait()

        @pl.when(s == NS - 1)
        def _():
            pltpu.make_async_copy(
                acc.at[pl.ds(0, ZTAIL)],
                out_hbm.at[c].at[pl.ds(0, ZTAIL)],
                ms0,
            ).wait()

    return k(M, dest)


def _tc_add_kernel(a_ref, b_ref, o_ref):
    o_ref[...] = a_ref[0] + b_ref[0]


def _tc_add(partials):
    blk = 1000
    return pl.pallas_call(
        _tc_add_kernel,
        out_shape=jax.ShapeDtypeStruct((N, D), jnp.float32),
        grid=(N // blk,),
        in_specs=[
            pl.BlockSpec((1, blk, D), lambda i: (0, i, 0)),
            pl.BlockSpec((1, blk, D), lambda i: (1, i, 0)),
        ],
        out_specs=pl.BlockSpec((blk, D), lambda i: (i, 0)),
    )(partials, partials)


def kernel(M, dest, dim_size):
    partials = _sc_segment_sum(M, dest.astype(jnp.int32))
    out = _tc_add(partials)
    w = jnp.ones((E, 1), dtype=M.dtype)
    return (out, w)

# --- scband reference (transcript-rebuilt; emitter-appended) ---
"""Pipeline reference for scband-sum-29094108463826 (READ-ONLY COPY).

The authoritative reference and input builder live on the scoring server;
editing this copy changes nothing except your own understanding.
"""

import jax, jax.numpy as jnp
import numpy as np


def setup_inputs(seed: int = 0) -> dict:
    key = jax.random.key(seed)
    k1, k2 = jax.random.split(key)
    M = jax.random.normal(k1, (320000, 128), dtype=jnp.float32)
    dest = jnp.sort(jax.random.randint(k2, (320000,), 0, 10000, dtype=jnp.int64))
    return {"M": M, "dest": dest, "dim_size": 10000}


def reference(M, dest, dim_size):
    # scatter_sum(M, dest, dim=0, dim_size=dim_size)
    M_v = jnp.zeros((10000, M.shape[1]), dtype=M.dtype).at[dest].add(M)
    M_v = M_v * (dim_size // dim_size).astype(M.dtype) if hasattr(dim_size, "astype") else M_v * jnp.asarray(dim_size // dim_size, dtype=M.dtype)
    w = jnp.ones((M.shape[0],), dtype=M.dtype)[:, None]
    return (M_v, w)

if __name__ == "__main__":
    import jax
    _d = setup_inputs()
    print(jax.jit(kernel)(*tuple(_d.values())))

</pallas_src>

<mosaic_0001>
#map = affine_map<(d0, d1) -> (0, 0)>
#map1 = affine_map<(d0, d1) -> (0)>
#map2 = affine_map<(d0, d1) -> (0, 0, 0)>
module attributes {stable_mosaic.version = 14 : i64} {
  func.func @k(%arg0: i32, %arg1: i32, %arg2: memref<320000x128xf32, #tpu.memory_space<hbm>>, %arg3: memref<320000xi32, #tpu.memory_space<hbm>>, %arg4: memref<2x10000x128xf32, #tpu.memory_space<hbm>>, %arg5: memref<128x128xf32, #tpu.memory_space<vmem>>, %arg6: memref<128x128xf32, #tpu.memory_space<vmem>>, %arg7: memref<128x128xf32, #tpu.memory_space<vmem>>, %arg8: memref<128xi32, #tpu.memory_space<vmem>>, %arg9: memref<128xi32, #tpu.memory_space<vmem>>, %arg10: memref<128xi32, #tpu.memory_space<vmem>>, %arg11: memref<16xi32, #tpu.memory_space<vmem>>, %arg12: memref<10000x128xf32, #tpu.memory_space<vmem_shared>>, %arg13: memref<!tpu.dma_semaphore, #tpu.memory_space<semaphore_mem>>, %arg14: memref<!tpu.dma_semaphore, #tpu.memory_space<semaphore_mem>>, %arg15: memref<!tpu.dma_semaphore, #tpu.memory_space<semaphore_mem>>, %arg16: memref<!tpu.dma_semaphore, #tpu.memory_space<semaphore_mem>>, %arg17: memref<!tpu.dma_semaphore, #tpu.memory_space<semaphore_mem>>, %arg18: memref<!tpu.dma_semaphore, #tpu.memory_space<semaphore_mem>>) attributes {dimension_semantics = [#tpu.dimension_semantics<core_parallel>, #tpu.dimension_semantics<subcore_parallel>], iteration_bounds = array<i64: 2, 16>, scalar_prefetch = 0 : i64, scratch_operands = 14 : i64, tpu.core_type = #tpu.core_type<sc_vector_subcore>, window_params = [{transform_indices = #map}, {transform_indices = #map1}, {transform_indices = #map2}]} {
    %mul3A = arith.constant 160000 : i32
    %mul3A_0 = arith.muli %arg0, %mul3A : i32
    %mul3A_1 = arith.constant 10000 : i32
    %mul3A_2 = arith.muli %arg1, %mul3A_1 : i32
    %add3A = arith.addi %mul3A_0, %mul3A_2 : i32
    %add3A_3 = arith.constant 0 : i32
    %add3A_4 = arith.addi %add3A, %add3A_3 : i32
    %dma_start3A = tpu.memref_slice %arg3[%add3A_4] : memref<320000xi32, #tpu.memory_space<hbm>> -> memref<128xi32, #tpu.memory_space<hbm>>
    %dma_start3A_5 = tpu.memref_slice %arg3[%add3A_4] : memref<320000xi32, #tpu.memory_space<hbm>> -> memref<128xi32, #tpu.memory_space<hbm>>
    tpu.enqueue_dma source(%dma_start3A_5 : memref<128xi32, #tpu.memory_space<hbm>>) target(%arg9 : memref<128xi32, #tpu.memory_space<vmem>>) target_semaphore(%arg17 : memref<!tpu.dma_semaphore, #tpu.memory_space<semaphore_mem>>)
    %dma_start3A_6 = arith.constant 0 : i32
    %dma_start3A_7 = tpu.memref_slice %arg2[%add3A_4, %dma_start3A_6] : memref<320000x128xf32, #tpu.memory_space<hbm>> -> memref<128x128xf32, #tpu.memory_space<hbm>>
    %dma_start3A_8 = arith.constant 0 : i32
    %dma_start3A_9 = tpu.memref_slice %arg2[%add3A_4, %dma_start3A_8] : memref<320000x128xf32, #tpu.memory_space<hbm>> -> memref<128x128xf32, #tpu.memory_space<hbm>>
    tpu.enqueue_dma source(%dma_start3A_9 : memref<128x128xf32, #tpu.memory_space<hbm>>) target(%arg6 : memref<128x128xf32, #tpu.memory_space<vmem>>) target_semaphore(%arg14 : memref<!tpu.dma_semaphore, #tpu.memory_space<semaphore_mem>>)
    %add3A_10 = arith.constant 128 : i32
    %add3A_11 = arith.addi %add3A, %add3A_10 : i32
    %dma_start3A_12 = tpu.memref_slice %arg3[%add3A_11] : memref<320000xi32, #tpu.memory_space<hbm>> -> memref<128xi32, #tpu.memory_space<hbm>>
    %dma_start3A_13 = tpu.memref_slice %arg3[%add3A_11] : memref<320000xi32, #tpu.memory_space<hbm>> -> memref<128xi32, #tpu.memory_space<hbm>>
    tpu.enqueue_dma source(%dma_start3A_13 : memref<128xi32, #tpu.memory_space<hbm>>) target(%arg10 : memref<128xi32, #tpu.memory_space<vmem>>) target_semaphore(%arg18 : memref<!tpu.dma_semaphore, #tpu.memory_space<semaphore_mem>>)
    %dma_start3A_14 = arith.constant 0 : i32
    %dma_start3A_15 = tpu.memref_slice %arg2[%add3A_11, %dma_start3A_14] : memref<320000x128xf32, #tpu.memory_space<hbm>> -> memref<128x128xf32, #tpu.memory_space<hbm>>
    %dma_start3A_16 = arith.constant 0 : i32
    %dma_start3A_17 = tpu.memref_slice %arg2[%add3A_11, %dma_start3A_16] : memref<320000x128xf32, #tpu.memory_space<hbm>> -> memref<128x128xf32, #tpu.memory_space<hbm>>
    tpu.enqueue_dma source(%dma_start3A_17 : memref<128x128xf32, #tpu.memory_space<hbm>>) target(%arg7 : memref<128x128xf32, #tpu.memory_space<vmem>>) target_semaphore(%arg15 : memref<!tpu.dma_semaphore, #tpu.memory_space<semaphore_mem>>)
    %broadcast_in_dim3A = arith.constant 0.000000e+00 : f32
    %broadcast_in_dim3A_18 = vector.broadcast %broadcast_in_dim3A : f32 to vector<16xf32>
    %scan3A = arith.constant 0 : i32
    %scan3A_19 = arith.constant 104 : i32
    %scan3A_20 = arith.addi %scan3A, %scan3A_19 : i32
    %scan3A_21 = arith.constant 1 : i32
    scf.for %scan3A_76 = %scan3A to %scan3A_20 step %scan3A_21  : i32 {
      %mul3A_77 = arith.constant 1 : i32
      %mul3A_78 = arith.muli %scan3A_76, %mul3A_77 : i32
      %add3A_79 = arith.constant 0 : i32
      %add3A_80 = arith.addi %add3A_79, %mul3A_78 : i32
      %scan3A_81 = arith.constant 0 : i32
      %scan3A_82 = arith.constant 8 : i32
      %scan3A_83 = arith.addi %scan3A_81, %scan3A_82 : i32
      %scan3A_84 = arith.constant 1 : i32
      scf.for %scan3A_86 = %scan3A_81 to %scan3A_83 step %scan3A_84  : i32 {
        %mul3A_87 = arith.constant 16 : i32
        %mul3A_88 = arith.muli %scan3A_86, %mul3A_87 : i32
        %add3A_89 = arith.constant 0 : i32
        %add3A_90 = arith.addi %add3A_89, %mul3A_88 : i32
        %swap3A = arith.index_cast %add3A_80 : i32 to index
        %swap3A_91 = arith.index_cast %add3A_90 : i32 to index
        %swap3A_92 = tpu.vector_load %arg5[%swap3A, %swap3A_91] {strides = array<i32>} : memref<128x128xf32, #tpu.memory_space<vmem>>, vector<1x16xf32>,
        %swap3A_93 = vector.shape_cast %swap3A_92 : vector<1x16xf32> to vector<16xf32>
        %swap3A_94 = vector.shape_cast %broadcast_in_dim3A_18 : vector<16xf32> to vector<1x16xf32>
        tpu.vector_store %arg5[%swap3A, %swap3A_91], %swap3A_94 {strides = array<i32>} : memref<128x128xf32, #tpu.memory_space<vmem>>, vector<1x16xf32>,
      }
      %scan3A_85 = arith.constant 8 : i32
    }
    %scan3A_22 = arith.constant 104 : i32
    %scan3A_23 = arith.constant 0 : i32
    %scan3A_24 = arith.constant 6 : i32
    %scan3A_25 = arith.addi %scan3A_23, %scan3A_24 : i32
    %scan3A_26 = arith.constant 1 : i32
    scf.for %scan3A_76 = %scan3A_23 to %scan3A_25 step %scan3A_26  : i32 {
      %mul3A_77 = arith.constant 1 : i32
      %mul3A_78 = arith.muli %scan3A_76, %mul3A_77 : i32
      %add3A_79 = arith.constant 0 : i32
      %add3A_80 = arith.addi %add3A_79, %mul3A_78 : i32
      %mul3A_81 = arith.constant 624 : i32
      %mul3A_82 = arith.muli %arg1, %mul3A_81 : i32
      %mul3A_83 = arith.constant 104 : i32
      %mul3A_84 = arith.muli %add3A_80, %mul3A_83 : i32
      %add3A_85 = arith.addi %mul3A_82, %mul3A_84 : i32
      %dma_start3A_86 = arith.constant 0 : i32
      %dma_start3A_87 = arith.constant 0 : i32
      %dma_start3A_88 = tpu.memref_slice %arg5[%dma_start3A_86, %dma_start3A_87] : memref<128x128xf32, #tpu.memory_space<vmem>> -> memref<104x128xf32, #tpu.memory_space<vmem>>
      %dma_start3A_89 = arith.constant 0 : i32
      %dma_start3A_90 = tpu.memref_slice %arg12[%add3A_85, %dma_start3A_89] : memref<10000x128xf32, #tpu.memory_space<vmem_shared>> -> memref<104x128xf32, #tpu.memory_space<vmem_shared>>
      %dma_start3A_91 = arith.constant 0 : i32
      %dma_start3A_92 = tpu.memref_slice %arg12[%add3A_85, %dma_start3A_91] : memref<10000x128xf32, #tpu.memory_space<vmem_shared>> -> memref<104x128xf32, #tpu.memory_space<vmem_shared>>
      %dma_start3A_93 = arith.constant 0 : i32
      %dma_start3A_94 = arith.constant 0 : i32
      %dma_start3A_95 = tpu.memref_slice %arg5[%dma_start3A_93, %dma_start3A_94] : memref<128x128xf32, #tpu.memory_space<vmem>> -> memref<104x128xf32, #tpu.memory_space<vmem>>
      tpu.enqueue_dma source(%dma_start3A_95 : memref<104x128xf32, #tpu.memory_space<vmem>>) target(%dma_start3A_92 : memref<104x128xf32, #tpu.memory_space<vmem_shared>>) target_semaphore(%arg13 : memref<!tpu.dma_semaphore, #tpu.memory_space<semaphore_mem>>)
    }
    %scan3A_27 = arith.constant 6 : i32
    %eq3A = arith.constant 15 : i32
    %eq3A_28 = arith.cmpi eq, %arg1, %eq3A : i32
    %convert_element_type3A = arith.extui %eq3A_28 : i1 to i32
    %cond3A = arith.constant 0 : i32
    %cond3A_29 = arith.cmpi ne, %convert_element_type3A, %cond3A : i32
    scf.if %cond3A_29 {
      %dma_start3A_76 = arith.constant 0 : i32
      %dma_start3A_77 = arith.constant 0 : i32
      %dma_start3A_78 = tpu.memref_slice %arg5[%dma_start3A_76, %dma_start3A_77] : memref<128x128xf32, #tpu.memory_space<vmem>> -> memref<16x128xf32, #tpu.memory_space<vmem>>
      %dma_start3A_79 = arith.constant 9984 : i32
      %dma_start3A_80 = arith.constant 0 : i32
      %dma_start3A_81 = tpu.memref_slice %arg12[%dma_start3A_79, %dma_start3A_80] : memref<10000x128xf32, #tpu.memory_space<vmem_shared>> -> memref<16x128xf32, #tpu.memory_space<vmem_shared>>
      %dma_start3A_82 = arith.constant 9984 : i32
      %dma_start3A_83 = arith.constant 0 : i32
      %dma_start3A_84 = tpu.memref_slice %arg12[%dma_start3A_82, %dma_start3A_83] : memref<10000x128xf32, #tpu.memory_space<vmem_shared>> -> memref<16x128xf32, #tpu.memory_space<vmem_shared>>
      %dma_start3A_85 = arith.constant 0 : i32
      %dma_start3A_86 = arith.constant 0 : i32
      %dma_start3A_87 = tpu.memref_slice %arg5[%dma_start3A_85, %dma_start3A_86] : memref<128x128xf32, #tpu.memory_space<vmem>> -> memref<16x128xf32, #tpu.memory_space<vmem>>
      tpu.enqueue_dma source(%dma_start3A_87 : memref<16x128xf32, #tpu.memory_space<vmem>>) target(%dma_start3A_84 : memref<16x128xf32, #tpu.memory_space<vmem_shared>>) target_semaphore(%arg13 : memref<!tpu.dma_semaphore, #tpu.memory_space<semaphore_mem>>)
    } else {
    }
    %scan3A_30 = arith.constant 0 : i32
    %scan3A_31 = arith.constant 6 : i32
    %scan3A_32 = arith.addi %scan3A_30, %scan3A_31 : i32
    %scan3A_33 = arith.constant 1 : i32
    scf.for %scan3A_76 = %scan3A_30 to %scan3A_32 step %scan3A_33  : i32 {
      %mul3A_77 = arith.constant 1 : i32
      %mul3A_78 = arith.muli %scan3A_76, %mul3A_77 : i32
      %add3A_79 = arith.constant 0 : i32
      %add3A_80 = arith.addi %add3A_79, %mul3A_78 : i32
      %dma_wait3A = arith.constant 0 : i32
      %dma_wait3A_81 = arith.constant 0 : i32
      %dma_wait3A_82 = tpu.memref_slice %arg5[%dma_wait3A, %dma_wait3A_81] : memref<128x128xf32, #tpu.memory_space<vmem>> -> memref<104x128xf32, #tpu.memory_space<vmem>>
      %dma_wait3A_83 = arith.constant 0 : i32
      %dma_wait3A_84 = arith.constant 0 : i32
      %dma_wait3A_85 = tpu.memref_slice %arg12[%dma_wait3A_83, %dma_wait3A_84] : memref<10000x128xf32, #tpu.memory_space<vmem_shared>> -> memref<104x128xf32, #tpu.memory_space<vmem_shared>>
      %dma_wait3A_86 = arith.constant 0 : i32
      %dma_wait3A_87 = arith.constant 0 : i32
      %dma_wait3A_88 = tpu.memref_slice %arg12[%dma_wait3A_86, %dma_wait3A_87] : memref<10000x128xf32, #tpu.memory_space<vmem_shared>> -> memref<104x128xf32, #tpu.memory_space<vmem_shared>>
      %dma_wait3A_89 = arith.constant 0 : i32
      %dma_wait3A_90 = arith.constant 0 : i32
      %dma_wait3A_91 = tpu.memref_slice %arg5[%dma_wait3A_89, %dma_wait3A_90] : memref<128x128xf32, #tpu.memory_space<vmem>> -> memref<104x128xf32, #tpu.memory_space<vmem>>
      tpu.wait_dma2 semaphore(%arg13 : memref<!tpu.dma_semaphore, #tpu.memory_space<semaphore_mem>>) src(%dma_wait3A_91 : memref<104x128xf32, #tpu.memory_space<vmem>>) dst(%dma_wait3A_88 : memref<104x128xf32, #tpu.memory_space<vmem_shared>>)
    }
    %scan3A_34 = arith.constant 6 : i32
    %eq3A_35 = arith.constant 15 : i32
    %eq3A_36 = arith.cmpi eq, %arg1, %eq3A_35 : i32
    %convert_element_type3A_37 = arith.extui %eq3A_36 : i1 to i32
    %cond3A_38 = arith.constant 0 : i32
    %cond3A_39 = arith.cmpi ne, %convert_element_type3A_37, %cond3A_38 : i32
    scf.if %cond3A_39 {
      %dma_wait3A = arith.constant 0 : i32
      %dma_wait3A_76 = arith.constant 0 : i32
      %dma_wait3A_77 = tpu.memref_slice %arg5[%dma_wait3A, %dma_wait3A_76] : memref<128x128xf32, #tpu.memory_space<vmem>> -> memref<16x128xf32, #tpu.memory_space<vmem>>
      %dma_wait3A_78 = arith.constant 0 : i32
      %dma_wait3A_79 = arith.constant 0 : i32
      %dma_wait3A_80 = tpu.memref_slice %arg12[%dma_wait3A_78, %dma_wait3A_79] : memref<10000x128xf32, #tpu.memory_space<vmem_shared>> -> memref<16x128xf32, #tpu.memory_space<vmem_shared>>
      %dma_wait3A_81 = arith.constant 0 : i32
      %dma_wait3A_82 = arith.constant 0 : i32
      %dma_wait3A_83 = tpu.memref_slice %arg12[%dma_wait3A_81, %dma_wait3A_82] : memref<10000x128xf32, #tpu.memory_space<vmem_shared>> -> memref<16x128xf32, #tpu.memory_space<vmem_shared>>
      %dma_wait3A_84 = arith.constant 0 : i32
      %dma_wait3A_85 = arith.constant 0 : i32
      %dma_wait3A_86 = tpu.memref_slice %arg5[%dma_wait3A_84, %dma_wait3A_85] : memref<128x128xf32, #tpu.memory_space<vmem>> -> memref<16x128xf32, #tpu.memory_space<vmem>>
      tpu.wait_dma2 semaphore(%arg13 : memref<!tpu.dma_semaphore, #tpu.memory_space<semaphore_mem>>) src(%dma_wait3A_86 : memref<16x128xf32, #tpu.memory_space<vmem>>) dst(%dma_wait3A_83 : memref<16x128xf32, #tpu.memory_space<vmem_shared>>)
    } else {
    }
    %barrier3A = arith.constant 0 : index
    tpu.barrier barrier_id(%barrier3A)
    %add3A_40 = arith.constant 256 : i32
    %add3A_41 = arith.addi %add3A, %add3A_40 : i32
    %dma_start3A_42 = tpu.memref_slice %arg3[%add3A_41] : memref<320000xi32, #tpu.memory_space<hbm>> -> memref<128xi32, #tpu.memory_space<hbm>>
    %dma_start3A_43 = tpu.memref_slice %arg3[%add3A_41] : memref<320000xi32, #tpu.memory_space<hbm>> -> memref<128xi32, #tpu.memory_space<hbm>>
    tpu.enqueue_dma source(%dma_start3A_43 : memref<128xi32, #tpu.memory_space<hbm>>) target(%arg8 : memref<128xi32, #tpu.memory_space<vmem>>) target_semaphore(%arg16 : memref<!tpu.dma_semaphore, #tpu.memory_space<semaphore_mem>>)
    %dma_start3A_44 = arith.constant 0 : i32
    %dma_start3A_45 = tpu.memref_slice %arg2[%add3A_41, %dma_start3A_44] : memref<320000x128xf32, #tpu.memory_space<hbm>> -> memref<128x128xf32, #tpu.memory_space<hbm>>
    %dma_start3A_46 = arith.constant 0 : i32
    %dma_start3A_47 = tpu.memref_slice %arg2[%add3A_41, %dma_start3A_46] : memref<320000x128xf32, #tpu.memory_space<hbm>> -> memref<128x128xf32, #tpu.memory_space<hbm>>
    tpu.enqueue_dma source(%dma_start3A_47 : memref<128x128xf32, #tpu.memory_space<hbm>>) target(%arg5 : memref<128x128xf32, #tpu.memory_space<vmem>>) target_semaphore(%arg13 : memref<!tpu.dma_semaphore, #tpu.memory_space<semaphore_mem>>)
    %scan3A_48 = arith.constant 0 : i32
    %scan3A_49 = arith.constant 26 : i32
    %scan3A_50 = arith.addi %scan3A_48, %scan3A_49 : i32
    %scan3A_51 = arith.constant 1 : i32
    scf.for %scan3A_76 = %scan3A_48 to %scan3A_50 step %scan3A_51  : i32 {
      %mul3A_77 = arith.constant 1 : i32
      %mul3A_78 = arith.muli %scan3A_76, %mul3A_77 : i32
      %add3A_79 = arith.constant 0 : i32
      %add3A_80 = arith.addi %add3A_79, %mul3A_78 : i32
      %mul3A_81 = arith.constant 3 : i32
      %mul3A_82 = arith.muli %add3A_80, %mul3A_81 : i32
      %dma_wait3A = arith.constant 0 : i32
      %dma_wait3A_83 = tpu.memref_slice %arg3[%dma_wait3A] : memref<320000xi32, #tpu.memory_space<hbm>> -> memref<128xi32, #tpu.memory_space<hbm>>
      %dma_wait3A_84 = arith.constant 0 : i32
      %dma_wait3A_85 = tpu.memref_slice %arg3[%dma_wait3A_84] : memref<320000xi32, #tpu.memory_space<hbm>> -> memref<128xi32, #tpu.memory_space<hbm>>
      tpu.wait_dma2 semaphore(%arg17 : memref<!tpu.dma_semaphore, #tpu.memory_space<semaphore_mem>>) src(%dma_wait3A_85 : memref<128xi32, #tpu.memory_space<hbm>>) dst(%arg9 : memref<128xi32, #tpu.memory_space<vmem>>)
      %dma_wait3A_86 = arith.constant 0 : i32
      %dma_wait3A_87 = arith.constant 0 : i32
      %dma_wait3A_88 = tpu.memref_slice %arg2[%dma_wait3A_86, %dma_wait3A_87] : memref<320000x128xf32, #tpu.memory_space<hbm>> -> memref<128x128xf32, #tpu.memory_space<hbm>>
      %dma_wait3A_89 = arith.constant 0 : i32
      %dma_wait3A_90 = arith.constant 0 : i32
      %dma_wait3A_91 = tpu.memref_slice %arg2[%dma_wait3A_89, %dma_wait3A_90] : memref<320000x128xf32, #tpu.memory_space<hbm>> -> memref<128x128xf32, #tpu.memory_space<hbm>>
      tpu.wait_dma2 semaphore(%arg14 : memref<!tpu.dma_semaphore, #tpu.memory_space<semaphore_mem>>) src(%dma_wait3A_91 : memref<128x128xf32, #tpu.memory_space<hbm>>) dst(%arg6 : memref<128x128xf32, #tpu.memory_space<vmem>>)
      %dma_start3A_92 = arith.constant 0 : i32
      %dma_start3A_93 = arith.constant 0 : i32
      %dma_start3A_94 = tpu.memref_slice %arg12[%dma_start3A_92, %dma_start3A_93] : memref<10000x128xf32, #tpu.memory_space<vmem_shared>> -> memref<10000x128xf32, #tpu.memory_space<vmem_shared>>
      tpu.enqueue_indirect_dma source(%arg6 : memref<128x128xf32, #tpu.memory_space<vmem>>) target(%dma_start3A_94 : memref<10000x128xf32, #tpu.memory_space<vmem_shared>>) offsets(%arg9 : memref<128xi32, #tpu.memory_space<vmem>>) semaphore(%arg14 : memref<!tpu.dma_semaphore, #tpu.memory_space<semaphore_mem>>) {add = true}
      %dma_wait3A_95 = arith.constant 0 : i32
      %dma_wait3A_96 = tpu.memref_slice %arg3[%dma_wait3A_95] : memref<320000xi32, #tpu.memory_space<hbm>> -> memref<128xi32, #tpu.memory_space<hbm>>
      %dma_wait3A_97 = arith.constant 0 : i32
      %dma_wait3A_98 = tpu.memref_slice %arg3[%dma_wait3A_97] : memref<320000xi32, #tpu.memory_space<hbm>> -> memref<128xi32, #tpu.memory_space<hbm>>
      tpu.wait_dma2 semaphore(%arg18 : memref<!tpu.dma_semaphore, #tpu.memory_space<semaphore_mem>>) src(%dma_wait3A_98 : memref<128xi32, #tpu.memory_space<hbm>>) dst(%arg10 : memref<128xi32, #tpu.memory_space<vmem>>)
      %dma_wait3A_99 = arith.constant 0 : i32
      %dma_wait3A_100 = arith.constant 0 : i32
      %dma_wait3A_101 = tpu.memref_slice %arg2[%dma_wait3A_99, %dma_wait3A_100] : memref<320000x128xf32, #tpu.memory_space<hbm>> -> memref<128x128xf32, #tpu.memory_space<hbm>>
      %dma_wait3A_102 = arith.constant 0 : i32
      %dma_wait3A_103 = arith.constant 0 : i32
      %dma_wait3A_104 = tpu.memref_slice %arg2[%dma_wait3A_102, %dma_wait3A_103] : memref<320000x128xf32, #tpu.memory_space<hbm>> -> memref<128x128xf32, #tpu.memory_space<hbm>>
      tpu.wait_dma2 semaphore(%arg15 : memref<!tpu.dma_semaphore, #tpu.memory_space<semaphore_mem>>) src(%dma_wait3A_104 : memref<128x128xf32, #tpu.memory_space<hbm>>) dst(%arg7 : memref<128x128xf32, #tpu.memory_space<vmem>>)
      %dma_start3A_105 = arith.constant 0 : i32
      %dma_start3A_106 = arith.constant 0 : i32
      %dma_start3A_107 = tpu.memref_slice %arg12[%dma_start3A_105, %dma_start3A_106] : memref<10000x128xf32, #tpu.memory_space<vmem_shared>> -> memref<10000x128xf32, #tpu.memory_space<vmem_shared>>
      tpu.enqueue_indirect_dma source(%arg7 : memref<128x128xf32, #tpu.memory_space<vmem>>) target(%dma_start3A_107 : memref<10000x128xf32, #tpu.memory_space<vmem_shared>>) offsets(%arg10 : memref<128xi32, #tpu.memory_space<vmem>>) semaphore(%arg15 : memref<!tpu.dma_semaphore, #tpu.memory_space<semaphore_mem>>) {add = true}
      %dma_wait3A_108 = arith.constant 0 : i32
      %dma_wait3A_109 = tpu.memref_slice %arg3[%dma_wait3A_108] : memref<320000xi32, #tpu.memory_space<hbm>> -> memref<128xi32, #tpu.memory_space<hbm>>
      %dma_wait3A_110 = arith.constant 0 : i32
      %dma_wait3A_111 = tpu.memref_slice %arg3[%dma_wait3A_110] : memref<320000xi32, #tpu.memory_space<hbm>> -> memref<128xi32, #tpu.memory_space<hbm>>
      tpu.wait_dma2 semaphore(%arg16 : memref<!tpu.dma_semaphore, #tpu.memory_space<semaphore_mem>>) src(%dma_wait3A_111 : memref<128xi32, #tpu.memory_space<hbm>>) dst(%arg8 : memref<128xi32, #tpu.memory_space<vmem>>)
      %dma_wait3A_112 = arith.constant 0 : i32
      %dma_wait3A_113 = arith.constant 0 : i32
      %dma_wait3A_114 = tpu.memref_slice %arg2[%dma_wait3A_112, %dma_wait3A_113] : memref<320000x128xf32, #tpu.memory_space<hbm>> -> memref<128x128xf32, #tpu.memory_space<hbm>>
      %dma_wait3A_115 = arith.constant 0 : i32
      %dma_wait3A_116 = arith.constant 0 : i32
      %dma_wait3A_117 = tpu.memref_slice %arg2[%dma_wait3A_115, %dma_wait3A_116] : memref<320000x128xf32, #tpu.memory_space<hbm>> -> memref<128x128xf32, #tpu.memory_space<hbm>>
      tpu.wait_dma2 semaphore(%arg13 : memref<!tpu.dma_semaphore, #tpu.memory_space<semaphore_mem>>) src(%dma_wait3A_117 : memref<128x128xf32, #tpu.memory_space<hbm>>) dst(%arg5 : memref<128x128xf32, #tpu.memory_space<vmem>>)
      %dma_start3A_118 = arith.constant 0 : i32
      %dma_start3A_119 = arith.constant 0 : i32
      %dma_start3A_120 = tpu.memref_slice %arg12[%dma_start3A_118, %dma_start3A_119] : memref<10000x128xf32, #tpu.memory_space<vmem_shared>> -> memref<10000x128xf32, #tpu.memory_space<vmem_shared>>
      tpu.enqueue_indirect_dma source(%arg5 : memref<128x128xf32, #tpu.memory_space<vmem>>) target(%dma_start3A_120 : memref<10000x128xf32, #tpu.memory_space<vmem_shared>>) offsets(%arg8 : memref<128xi32, #tpu.memory_space<vmem>>) semaphore(%arg13 : memref<!tpu.dma_semaphore, #tpu.memory_space<semaphore_mem>>) {add = true}
      %dma_wait3A_121 = arith.constant 0 : i32
      %dma_wait3A_122 = arith.constant 0 : i32
      %dma_wait3A_123 = tpu.memref_slice %arg12[%dma_wait3A_121, %dma_wait3A_122] : memref<10000x128xf32, #tpu.memory_space<vmem_shared>> -> memref<10000x128xf32, #tpu.memory_space<vmem_shared>>
      tpu.wait_indirect_dma semaphore(%arg14 : memref<!tpu.dma_semaphore, #tpu.memory_space<semaphore_mem>>) src(%arg6 : memref<128x128xf32, #tpu.memory_space<vmem>>) dst(%dma_wait3A_123 : memref<10000x128xf32, #tpu.memory_space<vmem_shared>>)
      %add3A_124 = arith.constant 0 : i32
      %add3A_125 = arith.addi %mul3A_82, %add3A_124 : i32
      %add3A_126 = arith.constant 3 : i32
      %add3A_127 = arith.addi %add3A_125, %add3A_126 : i32
      %lt3A = arith.constant 78 : i32
      %lt3A_128 = arith.cmpi slt, %add3A_127, %lt3A : i32
      %convert_element_type3A_129 = arith.extui %lt3A_128 : i1 to i32
      %cond3A_130 = arith.constant 0 : i32
      %cond3A_131 = arith.cmpi ne, %convert_element_type3A_129, %cond3A_130 : i32
      scf.if %cond3A_131 {
        %add3A_156 = arith.constant 0 : i32
        %add3A_157 = arith.addi %mul3A_82, %add3A_156 : i32
        %add3A_158 = arith.constant 3 : i32
        %add3A_159 = arith.addi %add3A_157, %add3A_158 : i32
        %mul3A_160 = arith.constant 128 : i32
        %mul3A_161 = arith.muli %add3A_159, %mul3A_160 : i32
        %add3A_162 = arith.addi %add3A, %mul3A_161 : i32
        %dma_start3A_163 = tpu.memref_slice %arg3[%add3A_162] : memref<320000xi32, #tpu.memory_space<hbm>> -> memref<128xi32, #tpu.memory_space<hbm>>
        %dma_start3A_164 = tpu.memref_slice %arg3[%add3A_162] : memref<320000xi32, #tpu.memory_space<hbm>> -> memref<128xi32, #tpu.memory_space<hbm>>
        tpu.enqueue_dma source(%dma_start3A_164 : memref<128xi32, #tpu.memory_space<hbm>>) target(%arg9 : memref<128xi32, #tpu.memory_space<vmem>>) target_semaphore(%arg17 : memref<!tpu.dma_semaphore, #tpu.memory_space<semaphore_mem>>)
        %dma_start3A_165 = arith.constant 0 : i32
        %dma_start3A_166 = tpu.memref_slice %arg2[%add3A_162, %dma_start3A_165] : memref<320000x128xf32, #tpu.memory_space<hbm>> -> memref<128x128xf32, #tpu.memory_space<hbm>>
        %dma_start3A_167 = arith.constant 0 : i32
        %dma_start3A_168 = tpu.memref_slice %arg2[%add3A_162, %dma_start3A_167] : memref<320000x128xf32, #tpu.memory_space<hbm>> -> memref<128x128xf32, #tpu.memory_space<hbm>>
        tpu.enqueue_dma source(%dma_start3A_168 : memref<128x128xf32, #tpu.memory_space<hbm>>) target(%arg6 : memref<128x128xf32, #tpu.memory_space<vmem>>) target_semaphore(%arg14 : memref<!tpu.dma_semaphore, #tpu.memory_space<semaphore_mem>>)
      } else {
      }
      %dma_wait3A_132 = arith.constant 0 : i32
      %dma_wait3A_133 = arith.constant 0 : i32
      %dma_wait3A_134 = tpu.memref_slice %arg12[%dma_wait3A_132, %dma_wait3A_133] : memref<10000x128xf32, #tpu.memory_space<vmem_shared>> -> memref<10000x128xf32, #tpu.memory_space<vmem_shared>>
      tpu.wait_indirect_dma semaphore(%arg15 : memref<!tpu.dma_semaphore, #tpu.memory_space<semaphore_mem>>) src(%arg7 : memref<128x128xf32, #tpu.memory_space<vmem>>) dst(%dma_wait3A_134 : memref<10000x128xf32, #tpu.memory_space<vmem_shared>>)
      %add3A_135 = arith.constant 1 : i32
      %add3A_136 = arith.addi %mul3A_82, %add3A_135 : i32
      %add3A_137 = arith.constant 3 : i32
      %add3A_138 = arith.addi %add3A_136, %add3A_137 : i32
      %lt3A_139 = arith.constant 78 : i32
      %lt3A_140 = arith.cmpi slt, %add3A_138, %lt3A_139 : i32
      %convert_element_type3A_141 = arith.extui %lt3A_140 : i1 to i32
      %cond3A_142 = arith.constant 0 : i32
      %cond3A_143 = arith.cmpi ne, %convert_element_type3A_141, %cond3A_142 : i32
      scf.if %cond3A_143 {
        %add3A_156 = arith.constant 1 : i32
        %add3A_157 = arith.addi %mul3A_82, %add3A_156 : i32
        %add3A_158 = arith.constant 3 : i32
        %add3A_159 = arith.addi %add3A_157, %add3A_158 : i32
        %mul3A_160 = arith.constant 128 : i32
        %mul3A_161 = arith.muli %add3A_159, %mul3A_160 : i32
        %add3A_162 = arith.addi %add3A, %mul3A_161 : i32
        %dma_start3A_163 = tpu.memref_slice %arg3[%add3A_162] : memref<320000xi32, #tpu.memory_space<hbm>> -> memref<128xi32, #tpu.memory_space<hbm>>
        %dma_start3A_164 = tpu.memref_slice %arg3[%add3A_162] : memref<320000xi32, #tpu.memory_space<hbm>> -> memref<128xi32, #tpu.memory_space<hbm>>
        tpu.enqueue_dma source(%dma_start3A_164 : memref<128xi32, #tpu.memory_space<hbm>>) target(%arg10 : memref<128xi32, #tpu.memory_space<vmem>>) target_semaphore(%arg18 : memref<!tpu.dma_semaphore, #tpu.memory_space<semaphore_mem>>)
        %dma_start3A_165 = arith.constant 0 : i32
        %dma_start3A_166 = tpu.memref_slice %arg2[%add3A_162, %dma_start3A_165] : memref<320000x128xf32, #tpu.memory_space<hbm>> -> memref<128x128xf32, #tpu.memory_space<hbm>>
        %dma_start3A_167 = arith.constant 0 : i32
        %dma_start3A_168 = tpu.memref_slice %arg2[%add3A_162, %dma_start3A_167] : memref<320000x128xf32, #tpu.memory_space<hbm>> -> memref<128x128xf32, #tpu.memory_space<hbm>>
        tpu.enqueue_dma source(%dma_start3A_168 : memref<128x128xf32, #tpu.memory_space<hbm>>) target(%arg7 : memref<128x128xf32, #tpu.memory_space<vmem>>) target_semaphore(%arg15 : memref<!tpu.dma_semaphore, #tpu.memory_space<semaphore_mem>>)
      } else {
      }
      %dma_wait3A_144 = arith.constant 0 : i32
      %dma_wait3A_145 = arith.constant 0 : i32
      %dma_wait3A_146 = tpu.memref_slice %arg12[%dma_wait3A_144, %dma_wait3A_145] : memref<10000x128xf32, #tpu.memory_space<vmem_shared>> -> memref<10000x128xf32, #tpu.memory_space<vmem_shared>>
      tpu.wait_indirect_dma semaphore(%arg13 : memref<!tpu.dma_semaphore, #tpu.memory_space<semaphore_mem>>) src(%arg5 : memref<128x128xf32, #tpu.memory_space<vmem>>) dst(%dma_wait3A_146 : memref<10000x128xf32, #tpu.memory_space<vmem_shared>>)
      %add3A_147 = arith.constant 2 : i32
      %add3A_148 = arith.addi %mul3A_82, %add3A_147 : i32
      %add3A_149 = arith.constant 3 : i32
      %add3A_150 = arith.addi %add3A_148, %add3A_149 : i32
      %lt3A_151 = arith.constant 78 : i32
      %lt3A_152 = arith.cmpi slt, %add3A_150, %lt3A_151 : i32
      %convert_element_type3A_153 = arith.extui %lt3A_152 : i1 to i32
      %cond3A_154 = arith.constant 0 : i32
      %cond3A_155 = arith.cmpi ne, %convert_element_type3A_153, %cond3A_154 : i32
      scf.if %cond3A_155 {
        %add3A_156 = arith.constant 2 : i32
        %add3A_157 = arith.addi %mul3A_82, %add3A_156 : i32
        %add3A_158 = arith.constant 3 : i32
        %add3A_159 = arith.addi %add3A_157, %add3A_158 : i32
        %mul3A_160 = arith.constant 128 : i32
        %mul3A_161 = arith.muli %add3A_159, %mul3A_160 : i32
        %add3A_162 = arith.addi %add3A, %mul3A_161 : i32
        %dma_start3A_163 = tpu.memref_slice %arg3[%add3A_162] : memref<320000xi32, #tpu.memory_space<hbm>> -> memref<128xi32, #tpu.memory_space<hbm>>
        %dma_start3A_164 = tpu.memref_slice %arg3[%add3A_162] : memref<320000xi32, #tpu.memory_space<hbm>> -> memref<128xi32, #tpu.memory_space<hbm>>
        tpu.enqueue_dma source(%dma_start3A_164 : memref<128xi32, #tpu.memory_space<hbm>>) target(%arg8 : memref<128xi32, #tpu.memory_space<vmem>>) target_semaphore(%arg16 : memref<!tpu.dma_semaphore, #tpu.memory_space<semaphore_mem>>)
        %dma_start3A_165 = arith.constant 0 : i32
        %dma_start3A_166 = tpu.memref_slice %arg2[%add3A_162, %dma_start3A_165] : memref<320000x128xf32, #tpu.memory_space<hbm>> -> memref<128x128xf32, #tpu.memory_space<hbm>>
        %dma_start3A_167 = arith.constant 0 : i32
        %dma_start3A_168 = tpu.memref_slice %arg2[%add3A_162, %dma_start3A_167] : memref<320000x128xf32, #tpu.memory_space<hbm>> -> memref<128x128xf32, #tpu.memory_space<hbm>>
        tpu.enqueue_dma source(%dma_start3A_168 : memref<128x128xf32, #tpu.memory_space<hbm>>) target(%arg5 : memref<128x128xf32, #tpu.memory_space<vmem>>) target_semaphore(%arg13 : memref<!tpu.dma_semaphore, #tpu.memory_space<semaphore_mem>>)
      } else {
      }
    }
    %scan3A_52 = arith.constant 26 : i32
    %add3A_53 = arith.constant 9984 : i32
    %add3A_54 = arith.addi %add3A, %add3A_53 : i32
    "tpu.region"() ({
      %run_scoped3A = tpu.sem_alloc : memref<!tpu.dma_semaphore, #tpu.memory_space<semaphore_mem>>
      %dma_start3A_76 = tpu.memref_slice %arg3[%add3A_54] : memref<320000xi32, #tpu.memory_space<hbm>> -> memref<16xi32, #tpu.memory_space<hbm>>
      %dma_start3A_77 = tpu.memref_slice %arg3[%add3A_54] : memref<320000xi32, #tpu.memory_space<hbm>> -> memref<16xi32, #tpu.memory_space<hbm>>
      tpu.enqueue_dma source(%dma_start3A_77 : memref<16xi32, #tpu.memory_space<hbm>>) target(%arg11 : memref<16xi32, #tpu.memory_space<vmem>>) target_semaphore(%run_scoped3A : memref<!tpu.dma_semaphore, #tpu.memory_space<semaphore_mem>>)
      %dma_wait3A = tpu.memref_slice %arg3[%add3A_54] : memref<320000xi32, #tpu.memory_space<hbm>> -> memref<16xi32, #tpu.memory_space<hbm>>
      %dma_wait3A_78 = tpu.memref_slice %arg3[%add3A_54] : memref<320000xi32, #tpu.memory_space<hbm>> -> memref<16xi32, #tpu.memory_space<hbm>>
      tpu.wait_dma2 semaphore(%run_scoped3A : memref<!tpu.dma_semaphore, #tpu.memory_space<semaphore_mem>>) src(%dma_wait3A_78 : memref<16xi32, #tpu.memory_space<hbm>>) dst(%arg11 : memref<16xi32, #tpu.memory_space<vmem>>)
      tpu.yield
    }) : () -> ()
    "tpu.region"() ({
      %run_scoped3A = tpu.sem_alloc : memref<!tpu.dma_semaphore, #tpu.memory_space<semaphore_mem>>
      %dma_start3A_76 = arith.constant 0 : i32
      %dma_start3A_77 = arith.constant 0 : i32
      %dma_start3A_78 = tpu.memref_slice %arg5[%dma_start3A_76, %dma_start3A_77] : memref<128x128xf32, #tpu.memory_space<vmem>> -> memref<16x128xf32, #tpu.memory_space<vmem>>
      %dma_start3A_79 = arith.constant 0 : i32
      %dma_start3A_80 = tpu.memref_slice %arg2[%add3A_54, %dma_start3A_79] : memref<320000x128xf32, #tpu.memory_space<hbm>> -> memref<16x128xf32, #tpu.memory_space<hbm>>
      %dma_start3A_81 = arith.constant 0 : i32
      %dma_start3A_82 = arith.constant 0 : i32
      %dma_start3A_83 = tpu.memref_slice %arg5[%dma_start3A_81, %dma_start3A_82] : memref<128x128xf32, #tpu.memory_space<vmem>> -> memref<16x128xf32, #tpu.memory_space<vmem>>
      %dma_start3A_84 = arith.constant 0 : i32
      %dma_start3A_85 = tpu.memref_slice %arg2[%add3A_54, %dma_start3A_84] : memref<320000x128xf32, #tpu.memory_space<hbm>> -> memref<16x128xf32, #tpu.memory_space<hbm>>
      tpu.enqueue_dma source(%dma_start3A_85 : memref<16x128xf32, #tpu.memory_space<hbm>>) target(%dma_start3A_83 : memref<16x128xf32, #tpu.memory_space<vmem>>) target_semaphore(%run_scoped3A : memref<!tpu.dma_semaphore, #tpu.memory_space<semaphore_mem>>)
      %dma_wait3A = arith.constant 0 : i32
      %dma_wait3A_86 = arith.constant 0 : i32
      %dma_wait3A_87 = tpu.memref_slice %arg5[%dma_wait3A, %dma_wait3A_86] : memref<128x128xf32, #tpu.memory_space<vmem>> -> memref<16x128xf32, #tpu.memory_space<vmem>>
      %dma_wait3A_88 = arith.constant 0 : i32
      %dma_wait3A_89 = tpu.memref_slice %arg2[%add3A_54, %dma_wait3A_88] : memref<320000x128xf32, #tpu.memory_space<hbm>> -> memref<16x128xf32, #tpu.memory_space<hbm>>
      %dma_wait3A_90 = arith.constant 0 : i32
      %dma_wait3A_91 = arith.constant 0 : i32
      %dma_wait3A_92 = tpu.memref_slice %arg5[%dma_wait3A_90, %dma_wait3A_91] : memref<128x128xf32, #tpu.memory_space<vmem>> -> memref<16x128xf32, #tpu.memory_space<vmem>>
      %dma_wait3A_93 = arith.constant 0 : i32
      %dma_wait3A_94 = tpu.memref_slice %arg2[%add3A_54, %dma_wait3A_93] : memref<320000x128xf32, #tpu.memory_space<hbm>> -> memref<16x128xf32, #tpu.memory_space<hbm>>
      tpu.wait_dma2 semaphore(%run_scoped3A : memref<!tpu.dma_semaphore, #tpu.memory_space<semaphore_mem>>) src(%dma_wait3A_94 : memref<16x128xf32, #tpu.memory_space<hbm>>) dst(%dma_wait3A_92 : memref<16x128xf32, #tpu.memory_space<vmem>>)
      tpu.yield
    }) : () -> ()
    "tpu.region"() ({
      %run_scoped3A = tpu.sem_alloc : memref<!tpu.dma_semaphore, #tpu.memory_space<semaphore_mem>>
      %dma_start3A_76 = arith.constant 0 : i32
      %dma_start3A_77 = arith.constant 0 : i32
      %dma_start3A_78 = tpu.memref_slice %arg5[%dma_start3A_76, %dma_start3A_77] : memref<128x128xf32, #tpu.memory_space<vmem>> -> memref<16x128xf32, #tpu.memory_space<vmem>>
      %dma_start3A_79 = arith.constant 0 : i32
      %dma_start3A_80 = arith.constant 0 : i32
      %dma_start3A_81 = tpu.memref_slice %arg12[%dma_start3A_79, %dma_start3A_80] : memref<10000x128xf32, #tpu.memory_space<vmem_shared>> -> memref<10000x128xf32, #tpu.memory_space<vmem_shared>>
      tpu.enqueue_indirect_dma source(%dma_start3A_78 : memref<16x128xf32, #tpu.memory_space<vmem>>) target(%dma_start3A_81 : memref<10000x128xf32, #tpu.memory_space<vmem_shared>>) offsets(%arg11 : memref<16xi32, #tpu.memory_space<vmem>>) semaphore(%run_scoped3A : memref<!tpu.dma_semaphore, #tpu.memory_space<semaphore_mem>>) {add = true}
      %dma_wait3A = arith.constant 0 : i32
      %dma_wait3A_82 = arith.constant 0 : i32
      %dma_wait3A_83 = tpu.memref_slice %arg5[%dma_wait3A, %dma_wait3A_82] : memref<128x128xf32, #tpu.memory_space<vmem>> -> memref<16x128xf32, #tpu.memory_space<vmem>>
      %dma_wait3A_84 = arith.constant 0 : i32
      %dma_wait3A_85 = arith.constant 0 : i32
      %dma_wait3A_86 = tpu.memref_slice %arg12[%dma_wait3A_84, %dma_wait3A_85] : memref<10000x128xf32, #tpu.memory_space<vmem_shared>> -> memref<10000x128xf32, #tpu.memory_space<vmem_shared>>
      tpu.wait_indirect_dma semaphore(%run_scoped3A : memref<!tpu.dma_semaphore, #tpu.memory_space<semaphore_mem>>) src(%dma_wait3A_83 : memref<16x128xf32, #tpu.memory_space<vmem>>) dst(%dma_wait3A_86 : memref<10000x128xf32, #tpu.memory_space<vmem_shared>>)
      tpu.yield
    }) : () -> ()
    %barrier3A_55 = arith.constant 0 : index
    tpu.barrier barrier_id(%barrier3A_55)
    %scan3A_56 = arith.constant 0 : i32
    %scan3A_57 = arith.constant 6 : i32
    %scan3A_58 = arith.addi %scan3A_56, %scan3A_57 : i32
    %scan3A_59 = arith.constant 1 : i32
    scf.for %scan3A_76 = %scan3A_56 to %scan3A_58 step %scan3A_59  : i32 {
      %mul3A_77 = arith.constant 1 : i32
      %mul3A_78 = arith.muli %scan3A_76, %mul3A_77 : i32
      %add3A_79 = arith.constant 0 : i32
      %add3A_80 = arith.addi %add3A_79, %mul3A_78 : i32
      %mul3A_81 = arith.constant 624 : i32
      %mul3A_82 = arith.muli %arg1, %mul3A_81 : i32
      %mul3A_83 = arith.constant 104 : i32
      %mul3A_84 = arith.muli %add3A_80, %mul3A_83 : i32
      %add3A_85 = arith.addi %mul3A_82, %mul3A_84 : i32
      %dma_start3A_86 = arith.constant 0 : i32
      %dma_start3A_87 = arith.constant 0 : i32
      %dma_start3A_88 = tpu.memref_slice %arg4[%arg0, %dma_start3A_86, %dma_start3A_87] : memref<2x10000x128xf32, #tpu.memory_space<hbm>> -> memref<1x10000x128xf32, #tpu.memory_space<hbm>>
      %dma_start3A_89 = tpu.memref_squeeze %dma_start3A_88 : memref<1x10000x128xf32, #tpu.memory_space<hbm>> -> memref<10000x128xf32, #tpu.memory_space<hbm>>
      %dma_start3A_90 = arith.constant 0 : i32
      %dma_start3A_91 = tpu.memref_slice %dma_start3A_89[%add3A_85, %dma_start3A_90] : memref<10000x128xf32, #tpu.memory_space<hbm>> -> memref<104x128xf32, #tpu.memory_space<hbm>>
      %dma_start3A_92 = arith.constant 0 : i32
      %dma_start3A_93 = tpu.memref_slice %arg12[%add3A_85, %dma_start3A_92] : memref<10000x128xf32, #tpu.memory_space<vmem_shared>> -> memref<104x128xf32, #tpu.memory_space<vmem_shared>>
      tpu.enqueue_dma source(%dma_start3A_93 : memref<104x128xf32, #tpu.memory_space<vmem_shared>>) target(%dma_start3A_91 : memref<104x128xf32, #tpu.memory_space<hbm>>) target_semaphore(%arg13 : memref<!tpu.dma_semaphore, #tpu.memory_space<semaphore_mem>>)
    }
    %scan3A_60 = arith.constant 6 : i32
    %eq3A_61 = arith.constant 15 : i32
    %eq3A_62 = arith.cmpi eq, %arg1, %eq3A_61 : i32
    %convert_element_type3A_63 = arith.extui %eq3A_62 : i1 to i32
    %cond3A_64 = arith.constant 0 : i32
    %cond3A_65 = arith.cmpi ne, %convert_element_type3A_63, %cond3A_64 : i32
    scf.if %cond3A_65 {
      %dma_start3A_76 = arith.constant 0 : i32
      %dma_start3A_77 = arith.constant 0 : i32
      %dma_start3A_78 = tpu.memref_slice %arg4[%arg0, %dma_start3A_76, %dma_start3A_77] : memref<2x10000x128xf32, #tpu.memory_space<hbm>> -> memref<1x10000x128xf32, #tpu.memory_space<hbm>>
      %dma_start3A_79 = tpu.memref_squeeze %dma_start3A_78 : memref<1x10000x128xf32, #tpu.memory_space<hbm>> -> memref<10000x128xf32, #tpu.memory_space<hbm>>
      %dma_start3A_80 = arith.constant 9984 : i32
      %dma_start3A_81 = arith.constant 0 : i32
      %dma_start3A_82 = tpu.memref_slice %dma_start3A_79[%dma_start3A_80, %dma_start3A_81] : memref<10000x128xf32, #tpu.memory_space<hbm>> -> memref<16x128xf32, #tpu.memory_space<hbm>>
      %dma_start3A_83 = arith.constant 9984 : i32
      %dma_start3A_84 = arith.constant 0 : i32
      %dma_start3A_85 = tpu.memref_slice %arg12[%dma_start3A_83, %dma_start3A_84] : memref<10000x128xf32, #tpu.memory_space<vmem_shared>> -> memref<16x128xf32, #tpu.memory_space<vmem_shared>>
      tpu.enqueue_dma source(%dma_start3A_85 : memref<16x128xf32, #tpu.memory_space<vmem_shared>>) target(%dma_start3A_82 : memref<16x128xf32, #tpu.memory_space<hbm>>) target_semaphore(%arg13 : memref<!tpu.dma_semaphore, #tpu.memory_space<semaphore_mem>>)
    } else {
    }
    %scan3A_66 = arith.constant 0 : i32
    %scan3A_67 = arith.constant 6 : i32
    %scan3A_68 = arith.addi %scan3A_66, %scan3A_67 : i32
    %scan3A_69 = arith.constant 1 : i32
    scf.for %scan3A_76 = %scan3A_66 to %scan3A_68 step %scan3A_69  : i32 {
      %mul3A_77 = arith.constant 1 : i32
      %mul3A_78 = arith.muli %scan3A_76, %mul3A_77 : i32
      %add3A_79 = arith.constant 0 : i32
      %add3A_80 = arith.addi %add3A_79, %mul3A_78 : i32
      %dma_wait3A = arith.constant 0 : i32
      %dma_wait3A_81 = arith.constant 0 : i32
      %dma_wait3A_82 = tpu.memref_slice %arg4[%arg0, %dma_wait3A, %dma_wait3A_81] : memref<2x10000x128xf32, #tpu.memory_space<hbm>> -> memref<1x10000x128xf32, #tpu.memory_space<hbm>>
      %dma_wait3A_83 = tpu.memref_squeeze %dma_wait3A_82 : memref<1x10000x128xf32, #tpu.memory_space<hbm>> -> memref<10000x128xf32, #tpu.memory_space<hbm>>
      %dma_wait3A_84 = arith.constant 0 : i32
      %dma_wait3A_85 = arith.constant 0 : i32
      %dma_wait3A_86 = tpu.memref_slice %dma_wait3A_83[%dma_wait3A_84, %dma_wait3A_85] : memref<10000x128xf32, #tpu.memory_space<hbm>> -> memref<104x128xf32, #tpu.memory_space<hbm>>
      %dma_wait3A_87 = arith.constant 0 : i32
      %dma_wait3A_88 = arith.constant 0 : i32
      %dma_wait3A_89 = tpu.memref_slice %arg12[%dma_wait3A_87, %dma_wait3A_88] : memref<10000x128xf32, #tpu.memory_space<vmem_shared>> -> memref<104x128xf32, #tpu.memory_space<vmem_shared>>
      tpu.wait_dma2 semaphore(%arg13 : memref<!tpu.dma_semaphore, #tpu.memory_space<semaphore_mem>>) src(%dma_wait3A_89 : memref<104x128xf32, #tpu.memory_space<vmem_shared>>) dst(%dma_wait3A_86 : memref<104x128xf32, #tpu.memory_space<hbm>>)
    }
    %scan3A_70 = arith.constant 6 : i32
    %eq3A_71 = arith.constant 15 : i32
    %eq3A_72 = arith.cmpi eq, %arg1, %eq3A_71 : i32
    %convert_element_type3A_73 = arith.extui %eq3A_72 : i1 to i32
    %cond3A_74 = arith.constant 0 : i32
    %cond3A_75 = arith.cmpi ne, %convert_element_type3A_73, %cond3A_74 : i32
    scf.if %cond3A_75 {
      %dma_wait3A = arith.constant 0 : i32
      %dma_wait3A_76 = arith.constant 0 : i32
      %dma_wait3A_77 = tpu.memref_slice %arg4[%arg0, %dma_wait3A, %dma_wait3A_76] : memref<2x10000x128xf32, #tpu.memory_space<hbm>> -> memref<1x10000x128xf32, #tpu.memory_space<hbm>>
      %dma_wait3A_78 = tpu.memref_squeeze %dma_wait3A_77 : memref<1x10000x128xf32, #tpu.memory_space<hbm>> -> memref<10000x128xf32, #tpu.memory_space<hbm>>
      %dma_wait3A_79 = arith.constant 0 : i32
      %dma_wait3A_80 = arith.constant 0 : i32
      %dma_wait3A_81 = tpu.memref_slice %dma_wait3A_78[%dma_wait3A_79, %dma_wait3A_80] : memref<10000x128xf32, #tpu.memory_space<hbm>> -> memref<16x128xf32, #tpu.memory_space<hbm>>
      %dma_wait3A_82 = arith.constant 0 : i32
      %dma_wait3A_83 = arith.constant 0 : i32
      %dma_wait3A_84 = tpu.memref_slice %arg12[%dma_wait3A_82, %dma_wait3A_83] : memref<10000x128xf32, #tpu.memory_space<vmem_shared>> -> memref<16x128xf32, #tpu.memory_space<vmem_shared>>
      tpu.wait_dma2 semaphore(%arg13 : memref<!tpu.dma_semaphore, #tpu.memory_space<semaphore_mem>>) src(%dma_wait3A_84 : memref<16x128xf32, #tpu.memory_space<vmem_shared>>) dst(%dma_wait3A_81 : memref<16x128xf32, #tpu.memory_space<hbm>>)
    } else {
    }
    return
  }
}

module attributes {stable_mosaic.version = 14 : i64} {
  func.func @_tc_add_kernel(%arg0: i32, %arg1: memref<1x1000x128xf32, #tpu.memory_space<vmem>>, %arg2: memref<1x1000x128xf32, #tpu.memory_space<vmem>>, %arg3: memref<1000x128xf32, #tpu.memory_space<vmem>>) attributes {dimension_semantics = [#tpu.dimension_semantics<arbitrary>], iteration_bounds = array<i64: 10>, scalar_prefetch = 0 : i64, scratch_operands = 0 : i64, tpu.core_type = #tpu.core_type<tc>, window_params = [{transform_indices = @transform_0, window_bounds = array<i64: 1, 1000, 128>}, {transform_indices = @transform_1, window_bounds = array<i64: 1, 1000, 128>}, {transform_indices = @transform_2, window_bounds = array<i64: 1000, 128>}]} {
    %get3A = arith.constant 0 : index
    %get3A_0 = arith.constant 0 : index
    %get3A_1 = arith.constant 0 : index
    %get3A_2 = vector.load %arg1[%get3A, %get3A_0, %get3A_1] : memref<1x1000x128xf32, #tpu.memory_space<vmem>>, vector<1x1000x128xf32>
    %get3A_3 = vector.shape_cast %get3A_2 : vector<1x1000x128xf32> to vector<1000x128xf32>
    %get3A_4 = arith.constant 0 : index
    %get3A_5 = arith.constant 0 : index
    %get3A_6 = arith.constant 0 : index
    %get3A_7 = vector.load %arg2[%get3A_4, %get3A_5, %get3A_6] : memref<1x1000x128xf32, #tpu.memory_space<vmem>>, vector<1x1000x128xf32>
    %get3A_8 = vector.shape_cast %get3A_7 : vector<1x1000x128xf32> to vector<1000x128xf32>
    %add3A = arith.addf %get3A_3, %get3A_8 : vector<1000x128xf32>
    %swap3A = arith.constant 0 : index
    %swap3A_9 = arith.constant 0 : index
    %swap3A_10 = vector.load %arg3[%swap3A, %swap3A_9] : memref<1000x128xf32, #tpu.memory_space<vmem>>, vector<1000x128xf32>
    tpu.vector_store %arg3[%swap3A, %swap3A_9], %add3A {strides = array<i32>} : memref<1000x128xf32, #tpu.memory_space<vmem>>, vector<1000x128xf32>,
    return
  }
  func.func @transform_0(%arg0: i32) -> (i32, i32, i32) {
    %c0_i32 = arith.constant 0 : i32
    %c0_i32_0 = arith.constant 0 : i32
    %c0_i32_1 = arith.constant 0 : i32
    return %c0_i32, %arg0, %c0_i32_0 : i32, i32, i32
  }
  func.func @transform_1(%arg0: i32) -> (i32, i32, i32) {
    %c1_i32 = arith.constant 1 : i32
    %c0_i32 = arith.constant 0 : i32
    %c0_i32_0 = arith.constant 0 : i32
    return %c1_i32, %arg0, %c0_i32 : i32, i32, i32
  }
  func.func @transform_2(%arg0: i32) -> (i32, i32) {
    %c0_i32 = arith.constant 0 : i32
    %c0_i32_0 = arith.constant 0 : i32
    return %arg0, %c0_i32 : i32, i32
  }
}

</mosaic_0001>

<sc_bundles>
// kernel: kernel.4.cloned.1.call-start
scs
__scs_entry_jumppad:
0x0: {  	(pc) =	sbr.rel $0x88, $3  }
0x1: {  	(tag) =	ssettag $0x0;
	lr =	simm.s32 $0x1  }
0x2: {  	[smem:$0x3F9F] =	sst lr;
	_ =	strace $0xD0000000  }
0x3: {  	_ = 	snop  }
0x4: {  	_ = 	snop  }
0x5: {  	_ = 	snop  }
0x6: {  	_ = 	snop  }
0x7: {  	_ = 	snop  }
__scs_overlays_trampoline_lowered:
0x8: {  	[smem:$0x3FAE] =	sst s0  }
0x9: {  	[smem:$0x3FAF] =	sst s1  }
0xa: {  	[smem:$0x3FB0] =	sst s2  }
0xb: {  	[smem:$0x3FB1] =	sst s3  }
0xc: {  	[smem:$0x3FB2] =	sst s4  }
0xd: {  	[smem:$0x3FB3] =	sst s5  }
0xe: {  	[smem:$0x3FB4] =	sst s6  }
0xf: {  	[smem:$0x3FB5] =	sst s7  }
0x10: {  	[smem:$0x3FB6] =	sst s8  }
0x11: {  	[smem:$0x3FB7] =	sst s9;
	s0 =	simm.s32 @!p0 $0x0  }
0x12: {  	s1 =	sld [smem:$0x3F9D];
	s0 =	simm.s32 @p0 $0x1  }
0x13: {  	[smem:$0x3FB8] =	sst s0;
	s0 =	simm.s32 @!p1 $0x0  }
0x14: {  	s2 =	sld [smem:$0x3F9C];
	s0 =	simm.s32 @p1 $0x1  }
0x15: {  	[smem:$0x3FB9] =	sst s0;
	s0 =	simm.s32 @!p2 $0x0  }
0x16: {  	s3 =	sld [smem:$0x3FDB];
	s0 =	simm.s32 @p2 $0x1  }
0x17: {  	s4 =	simm.s32 $0x1BF5;
	[smem:$0x3FBB] =	sst s0  }
0x18: {  	s0 =	sld [smem:$0x3F9E];
	_ =	swait.ge [sflag:s4], $0x0  }
0x19: {  	s7 =	sld [smem:$0x3F9F]  }
0x1a: {  	s8 =	sadd.s32 $0xFFFFE003, lr  }
0x1b: {  	s9 =	sadd.s32 $0xFFFFFEF7, lr;
	s5 =	simm.s32 $0xFFFFFFFF;
	p2 =	slt.u32 s8, $0xFFFFF086  }
0x1c: {  	p1 =	slt.u32 s9, $0xF7A;
	s5 =	simm.s32 @!p2 $0x0  }
0x1d: {  	s5 =	simm.s32 @p1 $0x1;
	p0 =	seq.s32 s7, s2  }
0x1e: {  	s7 =	smul.u32 @!p0 $0xF7A, s2;
	p2 =	seq.s32 @!p0 s5, $0x0  }
0x1f: {  	s9 =	smul.u32 $0xF7A, s1;
	s8 =	simm.s32 @!p0 $0x1BF5;
	p2 =	por !p2, p0  }
0x20: {  	[sflag:s8] =	ssyncset.s32 @!p0 $0xFFFFF086;
	s6 =	sadd.s32 @!p0 s3, s7;
	s7 =	simm.s32 @!p0 $0x108  }
0x21: {  	s3 =	sadd.s32 s3, s9;
	s6 =	sadd.s32 @!p0 $0x88, s6;
	s7 =	simm.s32 @p2 $0x1082  }
0x22: {  	[simem:s7], [sflag:s8] =	dma.local @!p0 [hbm:s6], $0xF7A  }
0x23: {  	s9 =	sor.u32 $0xD0000000, s2;
	s6 =	simm.s32 $0x108;
	_ =	swait.ge @!p0 [sflag:s8], $0x0  }
0x24: {  	s3 =	sadd.s32 $0x88, s3;
	s6 =	simm.s32 @!p1 $0x1082;
	[sflag:s4] =	ssyncset.s32 $0xFFFFF086  }
0x25: {  	[simem:s6], [sflag:s4] =	dma.local [hbm:s3], $0xF7A  }
0x26: {  	[smem:$0x3F9F] =	sst s1;
	(tag) =	ssettag s2;
	_ =	strace s9  }
0x27: {  	s1 =	sld [smem:$0x3FAF]  }
0x28: {  	s2 =	sld [smem:$0x3FB0]  }
0x29: {  	s4 =	sld [smem:$0x3FB2]  }
0x2a: {  	p0 =	seq.s32 s5, $0x0;
	s5 =	sld [smem:$0x3FB3]  }
0x2b: {  	s6 =	sld [smem:$0x3FB4]  }
0x2c: {  	s7 =	sld [smem:$0x3FB5]  }
0x2d: {  	s3 =	simm.s32 $0x108;
	s8 =	sld [smem:$0x3FB6]  }
0x2e: {  	s3 =	simm.s32 @!p0 $0x1082;
	s9 =	sld [smem:$0x3FB7]  }
0x2f: {  	lr =	sadd.s32 s0, s3;
	s0 =	sld [smem:$0x3FAE]  }
0x30: {  	s3 =	sld [smem:$0x3FB1]  }
0x31: {  	[smem:$0x3FBA] =	sst s10  }
0x32: {  	s10 =	sld [smem:$0x3FB8];
	_ =	sdelay $0x3  }
0x33: {  	p0 =	seq.s32 s10, $0x1;
	s10 =	sld [smem:$0x3FBA];
	_ =	sdelay $0x3  }
0x34: {  	[smem:$0x3FBA] =	sst s10  }
0x35: {  	s10 =	sld [smem:$0x3FB9];
	_ =	sdelay $0x3  }
0x36: {  	p1 =	seq.s32 s10, $0x1;
	s10 =	sld [smem:$0x3FBA];
	_ =	sdelay $0x3  }
0x37: {  	[smem:$0x3FBA] =	sst s10  }
0x38: {  	s10 =	sld [smem:$0x3FBB]  }
0x39: {  	_ = 	snop;
	(pc) =	sbr.ind lr, $3  }
0x3a: {  	_ = 	snop  }
0x3b: {  	_ = 	snop  }
0x3c: {  	p2 =	seq.s32 s10, $0x1;
	s10 =	sld [smem:$0x3FBA]  }
0x3d: {  	_ =	shalt  }
0x3e: {  	_ =	shalt  }
0x3f: {  	_ =	shalt  }
0x40: {  	_ =	shalt  }
0x41: {  	_ =	shalt  }
0x42: {  	_ =	shalt  }
0x43: {  	_ =	shalt  }
0x44: {  	_ =	shalt  }
0x45: {  	_ =	shalt  }
0x46: {  	_ =	shalt  }
0x47: {  	_ =	shalt  }
0x48: {  	_ =	shalt  }
0x49: {  	_ =	shalt  }
0x4a: {  	_ =	shalt  }
0x4b: {  	_ =	shalt  }
0x4c: {  	_ =	shalt  }
0x4d: {  	_ =	shalt  }
0x4e: {  	_ =	shalt  }
0x4f: {  	_ =	shalt  }
0x50: {  	_ =	shalt  }
0x51: {  	_ =	shalt  }
0x52: {  	_ =	shalt  }
0x53: {  	_ =	shalt  }
0x54: {  	_ =	shalt  }
0x55: {  	_ =	shalt  }
0x56: {  	_ =	shalt  }
0x57: {  	_ =	shalt  }
0x58: {  	_ =	shalt  }
0x59: {  	_ =	shalt  }
0x5a: {  	_ =	shalt  }
0x5b: {  	_ =	shalt  }
0x5c: {  	_ =	shalt  }
0x5d: {  	_ =	shalt  }
0x5e: {  	_ =	shalt  }
0x5f: {  	_ =	shalt  }
0x60: {  	_ =	shalt  }
0x61: {  	_ =	shalt  }
0x62: {  	_ =	shalt  }
0x63: {  	_ =	shalt  }
0x64: {  	_ =	shalt  }
0x65: {  	_ =	shalt  }
0x66: {  	_ =	shalt  }
0x67: {  	_ =	shalt  }
0x68: {  	_ =	shalt  }
0x69: {  	_ =	shalt  }
0x6a: {  	_ =	shalt  }
0x6b: {  	_ =	shalt  }
0x6c: {  	_ =	shalt  }
0x6d: {  	_ =	shalt  }
0x6e: {  	_ =	shalt  }
0x6f: {  	_ =	shalt  }
0x70: {  	_ =	shalt  }
0x71: {  	_ =	shalt  }
0x72: {  	_ =	shalt  }
0x73: {  	_ =	shalt  }
0x74: {  	_ =	shalt  }
0x75: {  	_ =	shalt  }
0x76: {  	_ =	shalt  }
0x77: {  	_ =	shalt  }
0x78: {  	_ =	shalt  }
0x79: {  	_ =	shalt  }
0x7a: {  	_ =	shalt  }
0x7b: {  	_ =	shalt  }
0x7c: {  	_ =	shalt  }
0x7d: {  	_ =	shalt  }
0x7e: {  	_ =	shalt  }
0x7f: {  	_ =	shalt  }
0x80: {  	_ =	shalt  }
0x81: {  	_ =	shalt  }
0x82: {  	_ =	shalt  }
0x83: {  	_ =	shalt  }
0x84: {  	_ =	shalt  }
0x85: {  	_ =	shalt  }
0x86: {  	_ =	shalt  }
0x87: {  	_ =	shalt  }
.Lfunc_end0:
.L_simem_size_0:
called_computation_lowered:
.L_overlay_start_0:
0x88: {  	s2 =	sld [smem:$0x3FD9]  }
0x89: {  	s3 =	sld [smem:$0x3FFE];
	_ =	sdelay $0x1  }
0x8a: {  	s1 =	srdreg.scid  }
0x8b: {  	s0 =	sand.u32 $0x1, s1  }
0x8c: {  	s17 =	sshll.u32 s0, $0xA;
	s2 =	sadd.s32 s3, s2  }
0x8d: {  	s2 =	sadd.s32 s2, s17  }
0x8e: {  	[smem:$0x3FC6] =	sst s2  }
0x8f: {  	_ = 	snop  }
0x90: {  	s2 =	sld [smem:$0x3FC9]  }
0x91: {  	s18 =	sld [smem:$0x3FC8];
	(tm) =	ssettm $0x1  }
0x92: {  	s4 =	sld [smem:$0x3FFB];
	_ =	sdelay $0x3  }
0x93: {  	_ =	strace s4  }
0x94: {  	s4 =	sld [smem:$0x3FFC];
	_ =	sdelay $0x3  }
0x95: {  	_ =	strace s4  }
0x96: {  	s4 =	sld [smem:$0x3FFD];
	_ =	sdelay $0x3  }
0x97: {  	_ =	strace s4  }
0x98: {  	_ =	strace $0x8FFFFFFF  }
0x99: {  	s19 =	sld [smem:$0x3FDB];
	_ =	sdelay $0x1  }
0x9a: {  	s5 =	simm.s32 $_scs_section_size  }
0x9b: {  	s6 =	simm.s32 $_size__tile_overlayer_lowered;
	s7 =	simm.s32 $_tile_overlayer_lowered  }
0x9c: {  	s22 =	simm.s32 $0x1BFF;
	s21 =	sshll.u32 s7, $0x1;
	s4 =	sadd.s32 s5, s19  }
0x9d: {  	s8 =	simm.s32 $0x0;
	s20 =	sshll.u32 s6, $0x1;
	s6 =	sadd.s32 s21, s4  }
0x9e: {  	[timem:s8], [sflag:s22] =	dma.local [hbm:s6], s20  }
0x9f: {  	_ =	swait.ge [sflag:s22], s20  }
0xa0: {  	s5 =	ssub.s32 $0x0, s20;
	[sflag:s22] =	ssyncset.done $0x0  }
0xa1: {  	[sflag:s22] =	ssyncadd.s32 s5;
	_ =	sdelay $0x1  }
0xa2: {  	s23 =	simm.s32 $0x1B8B  }
0xa3: {  	_ =	swait.ge [sflag:s23], $0x1  }
0xa4: {  	[sflag:s23] =	ssyncset.done $0x0  }
0xa5: {  	s25 =	simm.s32 $0x1B8E;
	s24 =	sld [smem:$0x3FFE];
	[sflag:s23] =	ssyncadd.s32 $0xFFFFFFFF  }
0xa6: {  	s26 =	simm.s32 $execute0_lowered;
	[smem:$0x3FD2] =	sst s25  }
0xa7: {  	s6 =	sshll.u32 s26, $0x1;
	_ =	strace $0x80000046;
	[dreg:$0x1] =	wrdreg $0xFFFFFFFF  }
0xa8: {  	s28 =	simm.s32 $_size_execute0_lowered;
	s4 =	sadd.s32 s4, s6;
	[dreg:$0x0] =	wrdreg $0x0  }
0xa9: {  	s6 =	sshll.u32 s28, $0x1;
	[dreg:$0x2] =	wrdreg s4  }
0xaa: {  	[dreg:$0x3] =	wrdreg s6  }
0xab: {  	[dreg:$0x4] =	wrdreg $0xC0  }
0xac: {  	_ =	task [dreg:s8], $0x5FFFF  }
0xad: {  	[dreg:$0x1] =	wrdreg $0xFFFFFFFF  }
0xae: {  	[dreg:$0x0] =	wrdreg $0x60  }
0xaf: {  	[dreg:$0x2] =	wrdreg s2  }
0xb0: {  	[dreg:$0x3] =	wrdreg s18  }
0xb1: {  	[dreg:$0x4] =	wrdreg s24  }
0xb2: {  	[dreg:$0x5] =	wrdreg $0xC2000  }
0xb3: {  	[dreg:$0x6] =	wrdreg $0x9  }
0xb4: {  	_ =	task.clear_ibuf [dreg:s8], $0x7FFFF;
	_ =	strace $0x90000046  }
0xb5: {  	s29 =	simm.s32 $0x9;
	_ =	strace $0x80000048  }
0xb6: {  	_ =	swait.ge [sflag:s29], $0x1  }
0xb7: {  	[sflag:s29] =	ssyncadd.s32 $0xFFFFFFFF  }
0xb8: {  	_ =	strace $0x90000048  }
0xb9: {  	_ =	sfence  }
0xba: {  	s30 =	sld [smem:$0x0];
	_ =	sdelay $0x2  }
0xbb: {  	s31 =	sshll.u32 s1, $0xD;
	s1 =	sshrl.u32 s1, $0x2  }
0xbc: {  	s3 =	sand.u32 $0x4000, s31;
	s1 =	sadd.s32 s1, s30  }
0xbd: {  	s0 =	sor.u32 s3, s0;
	s1 =	sshll.u32 s1, $0x11  }
0xbe: {  	s0 =	sor.u32 s1, s0  }
0xbf: {  	s0 =	sadd.s32 $0x8F2B, s0  }
0xc0: {  	[sflag:s0] =	ssyncadd.remote.s32 $0x1  }
0xc1: {  	_ =	sfence.sel $0xFFFF  }
0xc2: {  	[dreg:$0x0] =	wrdreg $0xFFFFFFFF;
	(pc) =	sbr.abs _section_cstart, $3  }
0xc3: {  	[dreg:$0x1] =	wrdreg $0xFFFFFFFF  }
0xc4: {  	_ =	task.clear_ibuf [dreg:s8], $0x2FFFF;
	_ =	strace $0x9FFFFFFF  }
0xc5: {  	(tm) =	ssettm $0x7FFFFFFF  }
tec
execute0_lowered:
.L_overlay_start_1:
0x0: {  	(tag) =	ssettag $0x1  }
0x1: {  	s0 =	rddreg [dreg:$0x0];
	s13 =	stileid.u32  }
0x2: {  	s1 =	rddreg [dreg:$0x1];
	s8 =	smul.u32 $0x2710, s13  }
0x3: {  	s3 =	rddreg [dreg:$0x2];
	s19 =	smul.u32 $0x270, s13  }
0x4: {  	s4 =	srdreg.scid;
	s12 =	smul.u32 $0x4E000, s13  }
0x5: {  	s2 =	rddreg [dreg:$0x3];
	s5 =	sand.u32 $0x1, s4;
	s31 =	smul.u32 $0x27100, s13  }
0x6: {  	s4 =	simm.s32 $0x0;
	p0 =	sne.s32 s13, $0xF;
	s6 =	smul.u32 $0x27100, s5  }
0x7: {  	[smem:$0x7FF] =	sst s4;
	s7 =	ssub.s32 $0x2, s5;
	s5 =	smul.u32 $0x271000, s5  }
0x8: {  	_ =	strace $0x80000047;
	s9 =	sshrl.u32 s7, $0x1;
	s24 =	sshrl.u32 s12, $0x2  }
0x9: {  	s25 =	sadd.s32 $0x68, s19;
	s28 =	sadd.s32 $0xD0, s19;
	s30 =	sadd.s32 $0x138, s19  }
0xa: {  	s12 =	sadd.s32 $0x208, s19;
	s3 =	sadd.s32 s6, s3;
	s7 =	ssub.s32 s7, s9  }
0xb: {  	s6 =	sadd.s32 s8, s6;
	s26 =	sshll.u32 s25, $0x7;
	s29 =	sshll.u32 s28, $0x7  }
0xc: {  	s8 =	sshrl.u32 s6, $0x3;
	s14 =	sshll.u32 s6, $0x4;
	s10 =	sadd.s32 $0x80, s6  }
0xd: {  	s18 =	sadd.s32 $0x100, s6;
	s21 =	sadd.s32 $0x2700, s6;
	s7 =	smax.u32 s7, $0x1  }
0xe: {  	s8 =	sadd.s32 s1, s8;
	s15 =	sadd.s32 s0, s14;
	s16 =	sshrl.u32 s10, $0x3  }
0xf: {  	s17 =	sshll.u32 s10, $0x4;
	s20 =	sshrl.u32 s18, $0x3;
	s9 =	sshll.u32 s18, $0x4  }
0x10: {  	s11 =	sshrl.u32 s21, $0x3;
	s14 =	sadd.s32 $0x600, s3;
	[dreg:$0xe] =	wrdreg s7  }
0x11: {  	s7 =	sshll.u32 s30, $0x7;
	s3 =	sshll.u32 s28, $0x4;
	[dreg:$0x5] =	wrdreg s8  }
0x12: {  	[dreg:$0x6] =	wrdreg s15;
	s8 =	sadd.s32 s1, s16;
	s10 =	sadd.s32 s1, s20  }
0x13: {  	s9 =	sadd.s32 s0, s9;
	s22 =	sadd.s32 s1, s11;
	s15 =	sadd.s32 s24, s2  }
0x14: {  	s16 =	sadd.s32 s26, s2;
	s11 =	sadd.s32 $0x1A0, s19;
	[dreg:$0xd] =	wrdreg s14  }
0x15: {  	s19 =	sadd.s32 s7, s2;
	s7 =	sshll.u32 s12, $0x4;
	[dreg:$0x7] =	wrdreg s8  }
0x16: {  	s24 =	sadd.s32 $0x280, s6;
	s26 =	smul.u32 $0x2700, s13;
	[dreg:$0x9] =	wrdreg s10  }
0x17: {  	s3 =	sadd.s32 s3, s14;
	s8 =	sadd.s32 s0, s17;
	[dreg:$0xa] =	wrdreg s9  }
0x18: {  	s10 =	sshll.u32 s21, $0x4;
	[dreg:$0xb] =	wrdreg s22;
	s17 =	sadd.s32 s29, s2  }
0x19: {  	s21 =	sshll.u32 s11, $0x7;
	s22 =	sshll.u32 s25, $0x4;
	s25 =	sadd.s32 $0x200, s6  }
0x1a: {  	s9 =	sshrl.u32 s24, $0x3;
	s6 =	sadd.s32 $0x180, s6;
	[dreg:$0x14] =	wrdreg s3  }
0x1b: {  	s3 =	simm.s32 $0xC080;
	s24 =	simm.s32 $0x7;
	[dreg:$0x8] =	wrdreg s8  }
0x1c: {  	s23 =	sadd.s32 s0, s10;
	s0 =	sadd.s32 s5, s0;
	s8 =	sshll.u32 s12, $0x7  }
0x1d: {  	s20 =	sadd.s32 s21, s2;
	s10 =	sshrl.u32 s25, $0x3;
	s9 =	sadd.s32 s9, s1  }
0x1e: {  	[dreg:$0x11] =	wrdreg s6;
	s29 =	sadd.s32 s26, s14;
	s5 =	sadd.s32 s22, s14  }
0x1f: {  	s6 =	simm.s32 $0xC100;
	s12 =	simm.s32 $0x80;
	s22 =	simm.s32 $0x3  }
0x20: {  	s26 =	simm.s32 $0x0;
	[dreg:$0xc] =	wrdreg s23;
	s18 =	sadd.s32 s31, s0  }
0x21: {  	s21 =	sadd.s32 s8, s2;
	s23 =	sshll.u32 s30, $0x4;
	[dreg:$0xf] =	wrdreg s9  }
0x22: {  	s0 =	sshll.u32 s11, $0x4;
	s28 =	sadd.s32 s10, s1;
	[dreg:$0x12] =	wrdreg s29  }
0x23: {  	[dreg:$0x13] =	wrdreg s5;
	s31 =	sadd.s32 s7, s14;
	s5 =	simm.s32 $0x4000  }
.Ltmp0:
0x24: {  	s7 =	simm.s32 $0x8000;
	s8 =	simm.s32 $0x1;
	(pc) =	sbr.rel .LBB2_1-.Ltmp0, $4  }
0x25: {  	s9 =	simm.s32 $0xC000;
	s10 =	simm.s32 $0x5;
	[dreg:$0x10] =	wrdreg s28  }
0x26: {  	s11 =	simm.s32 $0x2;
	s30 =	sadd.s32 s23, s14;
	[dreg:$0x17] =	wrdreg s31  }
0x27: {  	s0 =	sadd.s32 s0, s14;
	s14 =	simm.s32 $0x6;
	[dreg:$0x15] =	wrdreg s30  }
0x28: {  	v0 =	vimm.f32 $0.0e+00;
	s23 =	simm.s32 $0x4;
	[dreg:$0x16] =	wrdreg s0;
	s0 =	sadd.s32 $0x138000, s2  }
.LBB2_6:
0x29: {  	_ =	swait.ge [sflag:s22], $0x4000  }
0x2a: {  	[sflag:s22] =	ssyncset.done $0x0  }
0x2b: {  	[sflag:s22] =	ssyncadd.s32 $0xFFFFC000  }
0x2c: {  	_ =	swait.ge [sflag:s8], $0x4000  }
0x2d: {  	[sflag:s8] =	ssyncset.done $0x0  }
0x2e: {  	s25 =	simm.s32 $0xC180;
	s13 =	rddreg [dreg:$0xb];
	[sflag:s8] =	ssyncadd.s32 $0xFFFFC000  }
0x2f: {  	[tilespmem:s25], [sflag:$0x7] =	stream.linear.gather [hbm4b:s13+s4], $0x10, $0x38;
	[tilespmem:$0x1FA80] =	vst v63  }
0x30: {  	_ =	swait.ge [sflag:s24], $0x10  }
0x31: {  	[sflag:s24] =	ssyncset.done $0x0  }
0x32: {  	s28 =	rddreg [dreg:$0xc];
	[sflag:s24] =	ssyncadd.s32 $0xFFFFFFF0  }
0x33: {  	[tilespmem:s4], [sflag:$0x7] =	stream.linear.gather [hbm4b:s28+s4], $0x800, $0x38;
	[tilespmem:$0x1FA80] =	vst v63  }
0x34: {  	_ =	swait.ge [sflag:s24], $0x800  }
0x35: {  	[sflag:s24] =	ssyncset.done $0x0  }
0x36: {  	s29 =	simm.s32 $0x10;
	[sflag:s24] =	ssyncadd.s32 $0xFFFFF800  }
0x37: {  	[spmem:s2] =	stream.indirect.scatter.add.f32 [tilespmem:s4], [sflag:$0x7], $0x80, s25, s29, $0xb8;
	[tilespmem:$0x1FA80] =	vst v63  }
0x38: {  	_ =	swait.ge [sflag:s24], $0x800  }
0x39: {  	[sflag:s24] =	ssyncset.done $0x0  }
0x3a: {  	s30 =	stileid.u32;
	[sflag:s24] =	ssyncadd.s32 $0xFFFFF800  }
0x3b: {  	s13 =	sshll.u32 s30, $0x6;
	[bflag:$0x0] =	sbarrier.arrive $0xFFFF  }
0x3c: {  	s31 =	sshrl.u32 s15, $0x3;
	s13 =	sor.u32 $0x1C01, s13;
	s28 =	rddreg [dreg:$0x12]  }
0x3d: {  	[hbm:s28], [sflag:s13] =	dma.local [spmem:s31], $0x680  }
0x3e: {  	s29 =	sshrl.u32 s16, $0x3;
	s28 =	rddreg [dreg:$0x13]  }
0x3f: {  	[hbm:s28], [sflag:s13] =	dma.local [spmem:s29], $0x680  }
0x40: {  	s30 =	sshrl.u32 s17, $0x3;
	s28 =	rddreg [dreg:$0x14]  }
0x41: {  	[hbm:s28], [sflag:s13] =	dma.local [spmem:s30], $0x680  }
0x42: {  	s31 =	sshrl.u32 s19, $0x3;
	s28 =	rddreg [dreg:$0x15]  }
0x43: {  	[hbm:s28], [sflag:s13] =	dma.local [spmem:s31], $0x680  }
0x44: {  	s29 =	sshrl.u32 s20, $0x3;
	s28 =	rddreg [dreg:$0x16]  }
0x45: {  	[hbm:s28], [sflag:s13] =	dma.local [spmem:s29], $0x680  }
0x46: {  	s30 =	sshrl.u32 s21, $0x3;
	s28 =	rddreg [dreg:$0x17]  }
0x47: {  	[hbm:s28], [sflag:s13] =	dma.local [spmem:s30], $0x680  }
0x48: {  	s13 =	rddreg [dreg:$0xd]  }
0x49: {  	s25 =	sshrl.u32 @!p0 s0, $0x3;
	s28 =	simm.s32 @!p0 $0x1FC1;
	s13 =	sadd.s32 @!p0 $0x27000, s13  }
0x4a: {  	[hbm:s13], [sflag:s28] =	dma.local @!p0 [spmem:s25], $0x100  }
0x4b: {  	_ =	swait.ge [sflag:s8], $0x680  }
0x4c: {  	[sflag:s8] =	ssyncset.done $0x0  }
0x4d: {  	[sflag:s8] =	ssyncadd.s32 $0xFFFFF980  }
0x4e: {  	_ =	swait.ge [sflag:s8], $0x680  }
0x4f: {  	[sflag:s8] =	ssyncset.done $0x0  }
0x50: {  	[sflag:s8] =	ssyncadd.s32 $0xFFFFF980  }
0x51: {  	_ =	swait.ge [sflag:s8], $0x680  }
0x52: {  	[sflag:s8] =	ssyncset.done $0x0  }
0x53: {  	[sflag:s8] =	ssyncadd.s32 $0xFFFFF980  }
0x54: {  	_ =	swait.ge [sflag:s8], $0x680  }
0x55: {  	[sflag:s8] =	ssyncset.done $0x0  }
0x56: {  	[sflag:s8] =	ssyncadd.s32 $0xFFFFF980  }
0x57: {  	_ =	swait.ge [sflag:s8], $0x680  }
0x58: {  	[sflag:s8] =	ssyncset.done $0x0  }
0x59: {  	[sflag:s8] =	ssyncadd.s32 $0xFFFFF980  }
0x5a: {  	_ =	swait.ge [sflag:s8], $0x680  }
0x5b: {  	[sflag:s8] =	ssyncset.done $0x0  }
0x5c: {  	s13 =	simm.s32 @!p0 $0x1;
	[sflag:s8] =	ssyncadd.s32 $0xFFFFF980  }
0x5d: {  	_ =	swait.ge @!p0 [sflag:s13], $0x100  }
0x5e: {  	s26 =	sadd.s32 $0x1, s26;
	s31 =	rddreg [dreg:$0xe]  }
0x5f: {  	p1 =	sne.s32 s26, s31  }
.Ltmp1:
0x60: {  	_ = 	snop;
	(pc) =	sbr.rel @!p1 .LBB2_7-.Ltmp1, $3  }
0x61: {  	_ =	sdelay $0x1  }
0x62: {  	[sflag:s13] =	ssyncset.done @!p0 $0x0  }
0x63: {  	[sflag:s13] =	ssyncadd.s32 @!p0 $0xFFFFFF00  }
.LBB2_1:
0x64: {  	s13 =	rddreg [dreg:$0x5]  }
0x65: {  	[tilespmem:s3], [sflag:$0x5] =	stream.linear.gather [hbm4b:s13+s4], $0x80, $0x38;
	[tilespmem:$0x1FA80] =	vst v63  }
0x66: {  	s25 =	rddreg [dreg:$0x6]  }
0x67: {  	[tilespmem:s5], [sflag:$0x2] =	stream.linear.gather [hbm4b:s25+s4], $0x4000, $0x38;
	[tilespmem:$0x1FA80] =	vst v63  }
0x68: {  	s30 =	rddreg [dreg:$0x7]  }
0x69: {  	[tilespmem:s6], [sflag:$0x6] =	stream.linear.gather [hbm4b:s30+s4], $0x80, $0x38;
	[tilespmem:$0x1FA80] =	vst v63  }
0x6a: {  	s31 =	rddreg [dreg:$0x8];
	s28 =	simm.s32 $0x70;
	s29 =	simm.s32 $0x3C0  }
0x6b: {  	[tilespmem:s7], [sflag:$0x3] =	stream.linear.gather [hbm4b:s31+s4], $0x4000, $0x38;
	[tilespmem:$0x1FA80] =	vst v63  }
.LBB2_2:
0x6c: {  	p1 =	sne.s32 s29, $0xCFC0;
	[tilespmem:s28+$0x0] =	vst v0  }
0x6d: {  	[tilespmem:s28+$0xFFFFFF90] =	vst v0  }
0x6e: {  	[tilespmem:s28+$0xFFFFFFA0] =	vst v0  }
.Ltmp2:
0x6f: {  	[tilespmem:s28+$0xFFFFFFB0] =	vst v0;
	(pc) =	sbr.rel @p1 .LBB2_2-.Ltmp2, $4  }
0x70: {  	[tilespmem:s28+$0xFFFFFFC0] =	vst v0  }
0x71: {  	[tilespmem:s28+$0xFFFFFFD0] =	vst v0  }
0x72: {  	[tilespmem:s28+$0xFFFFFFE0] =	vst v0  }
0x73: {  	[tilespmem:s28+$0xFFFFFFF0] =	vst v0;
	s28 =	sshra.s32 s29, $0x2;
	s29 =	sadd.s32 $0x200, s29  }
0x74: {  	[tilespmem:s28+$0x0] =	vst v0  }
0x75: {  	[tilespmem:s28+$0xFFFFFF90] =	vst v0  }
0x76: {  	[tilespmem:s28+$0xFFFFFFA0] =	vst v0  }
0x77: {  	[tilespmem:s28+$0xFFFFFFB0] =	vst v0  }
0x78: {  	[tilespmem:s28+$0xFFFFFFC0] =	vst v0  }
0x79: {  	[tilespmem:s28+$0xFFFFFFD0] =	vst v0  }
0x7a: {  	[tilespmem:s28+$0xFFFFFFE0] =	vst v0  }
0x7b: {  	[tilespmem:s28+$0xFFFFFFF0] =	vst v0  }
0x7c: {  	[spmem:s15] =	stream.linear.scatter [tilespmem:s4], [sflag:$0x1], $0x3400, $0x38;
	[tilespmem:$0x1FA80] =	vst v63  }
0x7d: {  	_ = 	snop  }
0x7e: {  	[spmem:s16] =	stream.linear.scatter [tilespmem:s4], [sflag:$0x1], $0x3400, $0x38;
	[tilespmem:$0x1FA80] =	vst v63  }
0x7f: {  	_ = 	snop  }
0x80: {  	[spmem:s17] =	stream.linear.scatter [tilespmem:s4], [sflag:$0x1], $0x3400, $0x38;
	[tilespmem:$0x1FA80] =	vst v63  }
0x81: {  	_ = 	snop  }
0x82: {  	[spmem:s19] =	stream.linear.scatter [tilespmem:s4], [sflag:$0x1], $0x3400, $0x38;
	[tilespmem:$0x1FA80] =	vst v63  }
0x83: {  	_ = 	snop  }
0x84: {  	[spmem:s20] =	stream.linear.scatter [tilespmem:s4], [sflag:$0x1], $0x3400, $0x38;
	[tilespmem:$0x1FA80] =	vst v63  }
0x85: {  	_ = 	snop  }
0x86: {  	[spmem:s21] =	stream.linear.scatter [tilespmem:s4], [sflag:$0x1], $0x3400, $0x38;
	[tilespmem:$0x1FA80] =	vst v63  }
0x87: {  	s28 =	simm.s32 @!p0 $0x0  }
0x88: {  	[spmem:s0] =	stream.linear.scatter @!p0 [tilespmem:s28], [sflag:$0x1], $0x800, $0x38;
	[tilespmem:$0x1FA80] =	vst v63  }
0x89: {  	_ =	swait.ge [sflag:s8], $0x3400  }
0x8a: {  	[sflag:s8] =	ssyncset.done $0x0  }
0x8b: {  	[sflag:s8] =	ssyncadd.s32 $0xFFFFCC00  }
0x8c: {  	_ =	swait.ge [sflag:s8], $0x3400  }
0x8d: {  	[sflag:s8] =	ssyncset.done $0x0  }
0x8e: {  	[sflag:s8] =	ssyncadd.s32 $0xFFFFCC00  }
0x8f: {  	_ =	swait.ge [sflag:s8], $0x3400  }
0x90: {  	[sflag:s8] =	ssyncset.done $0x0  }
0x91: {  	[sflag:s8] =	ssyncadd.s32 $0xFFFFCC00  }
0x92: {  	_ =	swait.ge [sflag:s8], $0x3400  }
0x93: {  	[sflag:s8] =	ssyncset.done $0x0  }
0x94: {  	[sflag:s8] =	ssyncadd.s32 $0xFFFFCC00  }
0x95: {  	_ =	swait.ge [sflag:s8], $0x3400  }
0x96: {  	[sflag:s8] =	ssyncset.done $0x0  }
0x97: {  	[sflag:s8] =	ssyncadd.s32 $0xFFFFCC00  }
0x98: {  	_ =	swait.ge [sflag:s8], $0x3400  }
0x99: {  	[sflag:s8] =	ssyncset.done $0x0  }
0x9a: {  	s28 =	simm.s32 @!p0 $0x1;
	[sflag:s8] =	ssyncadd.s32 $0xFFFFCC00  }
0x9b: {  	_ =	swait.ge @!p0 [sflag:s28], $0x800  }
0x9c: {  	[sflag:s28] =	ssyncset.done @!p0 $0x0  }
0x9d: {  	[sflag:s28] =	ssyncadd.s32 @!p0 $0xFFFFF800  }
0x9e: {  	[bflag:$0x0] =	sbarrier.arrive $0xFFFF  }
0x9f: {  	s13 =	rddreg [dreg:$0x9]  }
0xa0: {  	s25 =	rddreg [dreg:$0xa]  }
0xa1: {  	s29 =	rddreg [dreg:$0x11]  }
0xa2: {  	s28 =	simm.s32 $0x0;
	s30 =	rddreg [dreg:$0x10]  }
0xa3: {  	[tilespmem:s9], [sflag:$0x4] =	stream.linear.gather [hbm4b:s13+s28], $0x80, $0x38;
	[tilespmem:$0x1FA80] =	vst v63  }
0xa4: {  	s31 =	rddreg [dreg:$0xf]  }
0xa5: {  	[tilespmem:s28], [sflag:$0x1] =	stream.linear.gather [hbm4b:s25+s28], $0x4000, $0x38;
	[tilespmem:$0x1FA80] =	vst v63  }
.LBB2_4:
0xa6: {  	_ =	swait.ge [sflag:s10], $0x80  }
0xa7: {  	[sflag:s10] =	ssyncset.done $0x0  }
0xa8: {  	[sflag:s10] =	ssyncadd.s32 $0xFFFFFF80  }
0xa9: {  	_ =	swait.ge [sflag:s11], $0x4000  }
0xaa: {  	[sflag:s11] =	ssyncset.done $0x0  }
0xab: {  	[sflag:s11] =	ssyncadd.s32 $0xFFFFC000  }
0xac: {  	[spmem:s2] =	stream.indirect.scatter.add.f32 [tilespmem:s5], [sflag:$0x2], $0x80, s3, s12, $0xb8;
	[tilespmem:$0x1FA80] =	vst v63  }
0xad: {  	_ =	swait.ge [sflag:s14], $0x80  }
0xae: {  	[sflag:s14] =	ssyncset.done $0x0  }
0xaf: {  	[sflag:s14] =	ssyncadd.s32 $0xFFFFFF80  }
0xb0: {  	_ =	swait.ge [sflag:s22], $0x4000  }
0xb1: {  	[sflag:s22] =	ssyncset.done $0x0  }
0xb2: {  	[sflag:s22] =	ssyncadd.s32 $0xFFFFC000  }
0xb3: {  	[spmem:s2] =	stream.indirect.scatter.add.f32 [tilespmem:s7], [sflag:$0x3], $0x80, s6, s12, $0xb8;
	[tilespmem:$0x1FA80] =	vst v63  }
0xb4: {  	_ =	swait.ge [sflag:s23], $0x80  }
0xb5: {  	[sflag:s23] =	ssyncset.done $0x0  }
0xb6: {  	[sflag:s23] =	ssyncadd.s32 $0xFFFFFF80  }
0xb7: {  	_ =	swait.ge [sflag:s8], $0x4000  }
0xb8: {  	p1 =	seq.s32 s28, $0x25800;
	[sflag:s8] =	ssyncset.done $0x0  }
.Ltmp3:
0xb9: {  	[sflag:s8] =	ssyncadd.s32 $0xFFFFC000;
	(pc) =	sbr.rel @p1 .LBB2_6-.Ltmp3, $4  }
0xba: {  	[spmem:s2] =	stream.indirect.scatter.add.f32 [tilespmem:s4], [sflag:$0x1], $0x80, s9, s12, $0xb8;
	[tilespmem:$0x1FA80] =	vst v63  }
0xbb: {  	_ =	swait.ge [sflag:s11], $0x4000  }
0xbc: {  	[sflag:s11] =	ssyncset.done $0x0  }
0xbd: {  	[sflag:s11] =	ssyncadd.s32 $0xFFFFC000  }
0xbe: {  	s13 =	sshrl.u32 s29, $0x3  }
0xbf: {  	s13 =	sadd.s32 s1, s13  }
0xc0: {  	[tilespmem:s3], [sflag:$0x5] =	stream.linear.gather [hbm4b:s13+s4], $0x80, $0x38;
	[tilespmem:$0x1FA80] =	vst v63  }
0xc1: {  	s13 =	sadd.s32 s28, s18  }
0xc2: {  	s25 =	sadd.s32 $0x1800, s13  }
0xc3: {  	[tilespmem:s5], [sflag:$0x2] =	stream.linear.gather [hbm4b:s25+s4], $0x4000, $0x38;
	[tilespmem:$0x1FA80] =	vst v63  }
0xc4: {  	_ =	swait.ge [sflag:s22], $0x4000  }
0xc5: {  	[sflag:s22] =	ssyncset.done $0x0  }
0xc6: {  	[sflag:s22] =	ssyncadd.s32 $0xFFFFC000  }
0xc7: {  	[tilespmem:s6], [sflag:$0x6] =	stream.linear.gather [hbm4b:s30+s4], $0x80, $0x38;
	[tilespmem:$0x1FA80] =	vst v63  }
0xc8: {  	s25 =	sadd.s32 $0x2000, s13  }
0xc9: {  	[tilespmem:s7], [sflag:$0x3] =	stream.linear.gather [hbm4b:s25+s4], $0x4000, $0x38;
	[tilespmem:$0x1FA80] =	vst v63  }
0xca: {  	_ =	swait.ge [sflag:s8], $0x4000  }
.Ltmp4:
0xcb: {  	[sflag:s8] =	ssyncset.done $0x0;
	(pc) =	sbr.rel .LBB2_4-.Ltmp4, $4  }
0xcc: {  	s29 =	sadd.s32 $0x180, s29;
	s28 =	sadd.s32 $0x1800, s28;
	[sflag:s8] =	ssyncadd.s32 $0xFFFFC000  }
0xcd: {  	[tilespmem:s9], [sflag:$0x4] =	stream.linear.gather [hbm4b:s31+s4], $0x80, $0x38;
	[tilespmem:$0x1FA80] =	vst v63  }
0xce: {  	s13 =	sadd.s32 $0x2800, s13;
	s30 =	sadd.s32 $0x30, s30;
	s31 =	sadd.s32 $0x30, s31  }
0xcf: {  	[tilespmem:s4], [sflag:$0x1] =	stream.linear.gather [hbm4b:s13+s4], $0x4000, $0x38;
	[tilespmem:$0x1FA80] =	vst v63  }
.LBB2_7:
0xd0: {  	_ =	sfence.sel $0x180000  }
0xd1: {  	[bflag:$0x0] =	sbarrier.arrive $0xFFFF  }
0xd2: {  	_ =	strace $0x90000047  }
0xd3: {  	s0 =	stileid.u32;
	[bflag:$0x2] =	sbarrier.arrive $0xFFFF  }
0xd4: {  	p0 =	sne.s32 s0, $0x0;
	s0 =	rddreg [dreg:$0x4]  }
0xd5: {  	s0 =	sadd.s32 @!p0 $0x100000, s0  }
0xd6: {  	[sflag:s0] =	ssyncadd.tile.s32 @!p0 $0x1;
	_ =	shalt  }
.Lfunc_end2:
_tile_overlayer_lowered:
.L_overlay_start_2:
0xd7: {  	(tag) =	ssettag $0x2  }
0xd8: {  	s0 =	rddreg [dreg:$0x0];
	s2 =	stileid.u32  }
0xd9: {  	s1 =	rddreg [dreg:$0x1];
	p0 =	sne.s32 s2, $0x0  }
0xda: {  	s3 =	rddreg [dreg:$0x2];
	[bflag:$0x3] =	sbarrier.arrive $0xFFFF;
	s2 =	simm.s32 @!p0 $0x1C07  }
0xdb: {  	[timem:s3], [sflag:s2] =	dma.local @!p0 [hbm:s0], s1  }
0xdc: {  	s0 =	simm.s32 @!p0 $0x7  }
0xdd: {  	_ =	swait.ge @!p0 [sflag:s0], s1  }
0xde: {  	s1 =	ssub.s32 @!p0 $0x0, s1;
	[sflag:s0] =	ssyncset.done @!p0 $0x0  }
0xdf: {  	[sflag:s0] =	ssyncadd.s32 @!p0 s1  }
0xe0: {  	[bflag:$0x3] =	sbarrier.arrive $0xFFFF  }
0xe1: {  	_ =	shalt  }

</sc_bundles>
